<compile_context>
chip_gen: v7x
topology: tpu7x:2x2x1
jax: 0.10.2.dev20260603
libtpu: 0.0.44.dev20260713+nightly
codegen_flags: <defaults>
</compile_context>

<pallas_src>
import functools

import jax
import jax.numpy as jnp
from jax import lax
from jax.experimental import pallas as pl
from jax.experimental.pallas import tpu as pltpu
from jax.experimental.pallas import tpu_sc as plsc

_B = 16384
_EMB = 16
_NC, _NS = 2, 16
_NW = _NC * _NS
_RPW = _B // _NW
_CHUNK = 128
_NCHUNK = _RPW // _CHUNK


def _sc_gather(item_idx, user_idx, cat_idx, t_item, t_avg, t_user, t_cat):
    mesh = plsc.VectorSubcoreMesh(core_axis_name="c", subcore_axis_name="s")

    @functools.partial(
        pl.kernel,
        mesh=mesh,
        compiler_params=pltpu.CompilerParams(use_tc_tiling_on_sc=False),
        out_type=[
            jax.ShapeDtypeStruct((_B, _EMB), jnp.float32),
            jax.ShapeDtypeStruct((_B, _EMB), jnp.float32),
            jax.ShapeDtypeStruct((_B, _EMB), jnp.float32),
            jax.ShapeDtypeStruct((_B, _EMB), jnp.float32),
            jax.ShapeDtypeStruct((_NW, _EMB), jnp.float32),
        ],
        scratch_types=[
            pltpu.VMEM((_NCHUNK, _CHUNK), jnp.int32),
            pltpu.VMEM((_NCHUNK, _CHUNK), jnp.int32),
            pltpu.VMEM((_NCHUNK, _CHUNK), jnp.int32),
            pltpu.VMEM((_RPW, _EMB), jnp.float32),
            pltpu.VMEM((_RPW, _EMB), jnp.float32),
            pltpu.VMEM((_RPW, _EMB), jnp.float32),
            pltpu.VMEM((_RPW, _EMB), jnp.float32),
            pltpu.VMEM((_EMB,), jnp.float32),
            pltpu.SemaphoreType.DMA,
        ],
    )
    def k(ii_hbm, ui_hbm, ci_hbm, ti_hbm, ta_hbm, tu_hbm, tc_hbm,
          o_item, o_avg, o_user, o_cat, o_psum,
          v_ii, v_ui, v_ci, v_item, v_avg, v_user, v_cat, v_acc, sem):
        wid = lax.axis_index("s") * _NC + lax.axis_index("c")
        base = wid * _RPW
        r4 = wid * _NCHUNK
        pltpu.sync_copy(ii_hbm.at[pl.ds(r4, _NCHUNK)], v_ii)
        pltpu.sync_copy(ui_hbm.at[pl.ds(r4, _NCHUNK)], v_ui)
        pltpu.sync_copy(ci_hbm.at[pl.ds(r4, _NCHUNK)], v_ci)
        cps = []
        for j in range(_NCHUNK):
            sl = pl.ds(j * _CHUNK, _CHUNK)
            cps.append(pltpu.async_copy(ti_hbm.at[v_ii.at[j]], v_item.at[sl], sem))
            cps.append(pltpu.async_copy(ta_hbm.at[v_ii.at[j]], v_avg.at[sl], sem))
            cps.append(pltpu.async_copy(tu_hbm.at[v_ui.at[j]], v_user.at[sl], sem))
            cps.append(pltpu.async_copy(tc_hbm.at[v_ci.at[j]], v_cat.at[sl], sem))
        for c in cps:
            c.wait()

        wr = [
            pltpu.async_copy(v_item, o_item.at[pl.ds(base, _RPW)], sem),
            pltpu.async_copy(v_user, o_user.at[pl.ds(base, _RPW)], sem),
            pltpu.async_copy(v_cat, o_cat.at[pl.ds(base, _RPW)], sem),
            pltpu.async_copy(v_avg, o_avg.at[pl.ds(base, _RPW)], sem),
        ]

        def body(i, accs):
            r = i * 8
            return tuple(accs[j] + v_avg[r + j] for j in range(8))

        accs = lax.fori_loop(0, _RPW // 8, body,
                             tuple(jnp.zeros((_EMB,), jnp.float32)
                                   for _ in range(8)))
        acc = accs[0]
        for j in range(1, 8):
            acc = acc + accs[j]
        v_acc[...] = acc
        pltpu.sync_copy(v_acc, o_psum.at[wid])
        for c in wr:
            c.wait()

    return k(item_idx, user_idx, cat_idx, t_item, t_avg, t_user, t_cat)


def _tc_dense_body(psum_ref, item_ref, avg_ref, user_ref, cat_ref,
                   sw1_ref, sw2_ref, cw1_ref, cw2_ref,
                   sb1_ref, sb2_ref, cb1_ref, cb2_ref,
                   f0_ref, f1_ref, f2_ref, fb_ref, out_ref):
    total = jnp.sum(psum_ref[...])
    item = item_ref[...]
    user = user_ref[...]
    cat = cat_ref[...]
    user_sel = jnp.where(total == 0.0, user, avg_ref[...])

    def mm(a, b):
        return jax.lax.dot_general(
            a, b, (((1,), (0,)), ((), ())),
            preferred_element_type=jnp.float32)

    h_u = jnp.maximum(mm(user_sel, sw1_ref[...]) + sb1_ref[...], 0.0)
    shift = mm(h_u, sw2_ref[...]) + sb2_ref[...]
    h_c = jnp.maximum(mm(cat, cw1_ref[...]) + cb1_ref[...], 0.0)
    scale = mm(h_c, cw2_ref[...]) + cb2_ref[...]
    warm = scale * item + shift
    tmp = warm * f0_ref[...] + user * f1_ref[...] + cat * f2_ref[...]
    gi = lax.broadcasted_iota(jnp.int32, (128, 8), 0) // 16
    go = lax.broadcasted_iota(jnp.int32, (128, 8), 1)
    sel = jnp.where(gi == go, 1.0, 0.0).astype(jnp.float32)
    logit = mm(tmp, sel) + fb_ref[0, 0]
    out_ref[...] = 1.0 / (1.0 + jnp.exp(-logit))


def kernel(item_id, user_id, item_cat, new_item_emb, avg_users_emb,
           user_emb_table, cat_emb_table, shift_w1, shift_b1, shift_w2,
           shift_b2, scale_w1, scale_b1, scale_w2, scale_b2, final_w,
           final_b):
    g_item, g_avg, g_user, g_cat, psum = _sc_gather(
        item_id.reshape(_B // 128, 128),
        user_id.reshape(_B // 128, 128),
        item_cat.reshape(_B // 128, 128),
        new_item_emb, avg_users_emb, user_emb_table, cat_emb_table)

    rows = _B // 8
    pk = lambda a: a.reshape(rows, 128)
    eye8 = jnp.eye(8, dtype=jnp.float32)
    bd = lambda w: jnp.kron(eye8, w)
    tile8 = lambda v: jnp.tile(v.reshape(-1), 8).reshape(1, 128)

    f = final_w.reshape(3, _EMB)

    blk = 256
    grid = (rows // blk,)
    full = lambda shape: pl.BlockSpec(shape, lambda i: (0, 0))
    out = pl.pallas_call(
        _tc_dense_body,
        grid=grid,
        in_specs=[
            full((_NW * _EMB // 128, 128)),
            pl.BlockSpec((blk, 128), lambda i: (i, 0)),
            pl.BlockSpec((blk, 128), lambda i: (i, 0)),
            pl.BlockSpec((blk, 128), lambda i: (i, 0)),
            pl.BlockSpec((blk, 128), lambda i: (i, 0)),
            full((128, 128)), full((128, 128)),
            full((128, 128)), full((128, 128)),
            full((1, 128)), full((1, 128)), full((1, 128)), full((1, 128)),
            full((1, 128)), full((1, 128)), full((1, 128)),
            full((1, 1)),
        ],
        out_specs=pl.BlockSpec((blk, 8), lambda i: (i, 0)),
        out_shape=jax.ShapeDtypeStruct((rows, 8), jnp.float32),
    )(psum.reshape(_NW * _EMB // 128, 128),
      pk(g_item), pk(g_avg), pk(g_user), pk(g_cat),
      bd(shift_w1), bd(shift_w2), bd(scale_w1), bd(scale_w2),
      tile8(shift_b1), tile8(shift_b2), tile8(scale_b1), tile8(scale_b2),
      tile8(f[0]), tile8(f[1]), tile8(f[2]),
      final_b.reshape(1, 1))
    return out.reshape(_B, 1)

# --- scband reference (transcript-rebuilt; emitter-appended) ---
"""Pipeline reference for scband-mwuf-274877907055 (READ-ONLY COPY).

The authoritative reference and input builder live on the scoring server;
editing this copy changes nothing except your own understanding.
"""

import jax, jax.numpy as jnp
import numpy as np

B = 16384
VOCAB_ITEM = 1000000
VOCAB_USER = 1000000
VOCAB_CAT = 100000
EMB = 16
HID = 16


def setup_inputs(seed: int = 0) -> dict:
    key = jax.random.key(seed)
    ks = jax.random.split(key, 20)
    inp = {}
    inp['item_id'] = jax.random.randint(ks[0], (B,), 0, VOCAB_ITEM, dtype=jnp.int32)
    inp['user_id'] = jax.random.randint(ks[1], (B,), 0, VOCAB_USER, dtype=jnp.int32)
    inp['item_cat'] = jax.random.randint(ks[2], (B,), 0, VOCAB_CAT, dtype=jnp.int32)
    # new_item_emb: initialized as mean of pretrained item table repeated -> here random small init
    inp['new_item_emb'] = jax.random.normal(ks[3], (VOCAB_ITEM, EMB), jnp.float32) * 0.01
    inp['avg_users_emb'] = jax.random.normal(ks[4], (VOCAB_ITEM, EMB), jnp.float32) * 0.01
    inp['user_emb_table'] = jax.random.normal(ks[5], (VOCAB_USER, EMB), jnp.float32) * 0.01
    inp['cat_emb_table'] = jax.random.normal(ks[6], (VOCAB_CAT, EMB), jnp.float32) * 0.01
    # meta_shift: Linear(EMB, 16) -> ReLU -> Linear(16, EMB)
    inp['shift_w1'] = jax.random.normal(ks[7], (EMB, HID), jnp.float32) * 0.01
    inp['shift_b1'] = jnp.zeros((HID,), jnp.float32)
    inp['shift_w2'] = jax.random.normal(ks[8], (HID, EMB), jnp.float32) * 0.01
    inp['shift_b2'] = jnp.zeros((EMB,), jnp.float32)
    # meta_scale: Linear(output_emb_size=EMB, 16) -> ReLU -> Linear(16, EMB)
    inp['scale_w1'] = jax.random.normal(ks[9], (EMB, HID), jnp.float32) * 0.01
    inp['scale_b1'] = jnp.zeros((HID,), jnp.float32)
    inp['scale_w2'] = jax.random.normal(ks[10], (HID, EMB), jnp.float32) * 0.01
    inp['scale_b2'] = jnp.zeros((EMB,), jnp.float32)
    # downstream scoring head standing in for model.forward_with_item_id_emb
    inp['final_w'] = jax.random.normal(ks[11], (3 * EMB, 1), jnp.float32) * 0.01
    inp['final_b'] = jnp.zeros((1,), jnp.float32)
    return inp


def _forward(new_item_emb, avg_users_emb, user_emb_table, cat_emb_table,
             shift_w1, shift_b1, shift_w2, shift_b2,
             scale_w1, scale_b1, scale_w2, scale_b2,
             final_w, final_b,
             item_id, user_id, item_cat):
    # warm_item_id
    item_id_emb = jax.lax.stop_gradient(jnp.take(new_item_emb, item_id, axis=0))  # detach
    user_emb = jax.lax.stop_gradient(jnp.take(avg_users_emb, item_id, axis=0))    # detach, frozen table
    fallback = jnp.take(user_emb_table, user_id, axis=0)
    user_emb = jnp.where(jnp.sum(user_emb) == 0, fallback, user_emb)
    # item feature embeddings ('spr' type), detached after concat
    item_emb = jax.lax.stop_gradient(jnp.take(cat_emb_table, item_cat, axis=0))
    scale = jnp.maximum(item_emb @ scale_w1 + scale_b1, 0.0) @ scale_w2 + scale_b2
    shift = jnp.maximum(user_emb @ shift_w1 + shift_b1, 0.0) @ shift_w2 + shift_b2
    warm_item_id_emb = scale * item_id_emb + shift
    # forward_with_item_id_emb: downstream CTR scoring with warm item embedding
    u = jnp.take(user_emb_table, user_id, axis=0)
    c = jnp.take(cat_emb_table, item_cat, axis=0)
    feat = jnp.concatenate([warm_item_id_emb, u, c], axis=1)
    logit = feat @ final_w + final_b
    return jax.nn.sigmoid(logit)


def reference(item_id, user_id, item_cat, new_item_emb, avg_users_emb, user_emb_table,
              cat_emb_table, shift_w1, shift_b1, shift_w2, shift_b2,
              scale_w1, scale_b1, scale_w2, scale_b2, final_w, final_b):
    return _forward(new_item_emb, avg_users_emb, user_emb_table, cat_emb_table,
                    shift_w1, shift_b1, shift_w2, shift_b2,
                    scale_w1, scale_b1, scale_w2, scale_b2,
                    final_w, final_b, item_id, user_id, item_cat)

if __name__ == "__main__":
    import jax
    _d = setup_inputs()
    print(jax.jit(kernel)(*tuple(_d.values())))

</pallas_src>

<mosaic_0001>
#map = affine_map<(d0, d1) -> (0, 0)>
module attributes {stable_mosaic.version = 14 : i64} {
  func.func @k(%arg0: i32, %arg1: i32, %arg2: memref<128x128xi32, #tpu.memory_space<hbm>>, %arg3: memref<128x128xi32, #tpu.memory_space<hbm>>, %arg4: memref<128x128xi32, #tpu.memory_space<hbm>>, %arg5: memref<1000000x16xf32, #tpu.memory_space<hbm>>, %arg6: memref<1000000x16xf32, #tpu.memory_space<hbm>>, %arg7: memref<1000000x16xf32, #tpu.memory_space<hbm>>, %arg8: memref<100000x16xf32, #tpu.memory_space<hbm>>, %arg9: memref<16384x16xf32, #tpu.memory_space<hbm>>, %arg10: memref<16384x16xf32, #tpu.memory_space<hbm>>, %arg11: memref<16384x16xf32, #tpu.memory_space<hbm>>, %arg12: memref<16384x16xf32, #tpu.memory_space<hbm>>, %arg13: memref<32x16xf32, #tpu.memory_space<hbm>>, %arg14: memref<4x128xi32, #tpu.memory_space<vmem>>, %arg15: memref<4x128xi32, #tpu.memory_space<vmem>>, %arg16: memref<4x128xi32, #tpu.memory_space<vmem>>, %arg17: memref<512x16xf32, #tpu.memory_space<vmem>>, %arg18: memref<512x16xf32, #tpu.memory_space<vmem>>, %arg19: memref<512x16xf32, #tpu.memory_space<vmem>>, %arg20: memref<512x16xf32, #tpu.memory_space<vmem>>, %arg21: memref<16xf32, #tpu.memory_space<vmem>>, %arg22: memref<!tpu.dma_semaphore, #tpu.memory_space<semaphore_mem>>) attributes {dimension_semantics = [#tpu.dimension_semantics<core_parallel>, #tpu.dimension_semantics<subcore_parallel>], iteration_bounds = array<i64: 2, 16>, scalar_prefetch = 0 : i64, scratch_operands = 9 : i64, tpu.core_type = #tpu.core_type<sc_vector_subcore>, window_params = [{transform_indices = #map}, {transform_indices = #map}, {transform_indices = #map}, {transform_indices = #map}, {transform_indices = #map}, {transform_indices = #map}, {transform_indices = #map}, {transform_indices = #map}, {transform_indices = #map}, {transform_indices = #map}, {transform_indices = #map}, {transform_indices = #map}]} {
    %mul3A = arith.constant 2 : i32
    %mul3A_0 = arith.muli %arg1, %mul3A : i32
    %add3A = arith.addi %mul3A_0, %arg0 : i32
    %mul3A_1 = arith.constant 512 : i32
    %mul3A_2 = arith.muli %add3A, %mul3A_1 : i32
    %mul3A_3 = arith.constant 4 : i32
    %mul3A_4 = arith.muli %add3A, %mul3A_3 : i32
    "tpu.region"() ({
      %run_scoped3A = tpu.sem_alloc : memref<!tpu.dma_semaphore, #tpu.memory_space<semaphore_mem>>
      %dma_start3A_385 = arith.constant 0 : i32
      %dma_start3A_386 = tpu.memref_slice %arg2[%mul3A_4, %dma_start3A_385] : memref<128x128xi32, #tpu.memory_space<hbm>> -> memref<4x128xi32, #tpu.memory_space<hbm>>
      %dma_start3A_387 = arith.constant 0 : i32
      %dma_start3A_388 = tpu.memref_slice %arg2[%mul3A_4, %dma_start3A_387] : memref<128x128xi32, #tpu.memory_space<hbm>> -> memref<4x128xi32, #tpu.memory_space<hbm>>
      tpu.enqueue_dma source(%dma_start3A_388 : memref<4x128xi32, #tpu.memory_space<hbm>>) target(%arg14 : memref<4x128xi32, #tpu.memory_space<vmem>>) target_semaphore(%run_scoped3A : memref<!tpu.dma_semaphore, #tpu.memory_space<semaphore_mem>>)
      %dma_wait3A_389 = arith.constant 0 : i32
      %dma_wait3A_390 = tpu.memref_slice %arg2[%mul3A_4, %dma_wait3A_389] : memref<128x128xi32, #tpu.memory_space<hbm>> -> memref<4x128xi32, #tpu.memory_space<hbm>>
      %dma_wait3A_391 = arith.constant 0 : i32
      %dma_wait3A_392 = tpu.memref_slice %arg2[%mul3A_4, %dma_wait3A_391] : memref<128x128xi32, #tpu.memory_space<hbm>> -> memref<4x128xi32, #tpu.memory_space<hbm>>
      tpu.wait_dma2 semaphore(%run_scoped3A : memref<!tpu.dma_semaphore, #tpu.memory_space<semaphore_mem>>) src(%dma_wait3A_392 : memref<4x128xi32, #tpu.memory_space<hbm>>) dst(%arg14 : memref<4x128xi32, #tpu.memory_space<vmem>>)
      tpu.yield
    }) : () -> ()
    "tpu.region"() ({
      %run_scoped3A = tpu.sem_alloc : memref<!tpu.dma_semaphore, #tpu.memory_space<semaphore_mem>>
      %dma_start3A_385 = arith.constant 0 : i32
      %dma_start3A_386 = tpu.memref_slice %arg3[%mul3A_4, %dma_start3A_385] : memref<128x128xi32, #tpu.memory_space<hbm>> -> memref<4x128xi32, #tpu.memory_space<hbm>>
      %dma_start3A_387 = arith.constant 0 : i32
      %dma_start3A_388 = tpu.memref_slice %arg3[%mul3A_4, %dma_start3A_387] : memref<128x128xi32, #tpu.memory_space<hbm>> -> memref<4x128xi32, #tpu.memory_space<hbm>>
      tpu.enqueue_dma source(%dma_start3A_388 : memref<4x128xi32, #tpu.memory_space<hbm>>) target(%arg15 : memref<4x128xi32, #tpu.memory_space<vmem>>) target_semaphore(%run_scoped3A : memref<!tpu.dma_semaphore, #tpu.memory_space<semaphore_mem>>)
      %dma_wait3A_389 = arith.constant 0 : i32
      %dma_wait3A_390 = tpu.memref_slice %arg3[%mul3A_4, %dma_wait3A_389] : memref<128x128xi32, #tpu.memory_space<hbm>> -> memref<4x128xi32, #tpu.memory_space<hbm>>
      %dma_wait3A_391 = arith.constant 0 : i32
      %dma_wait3A_392 = tpu.memref_slice %arg3[%mul3A_4, %dma_wait3A_391] : memref<128x128xi32, #tpu.memory_space<hbm>> -> memref<4x128xi32, #tpu.memory_space<hbm>>
      tpu.wait_dma2 semaphore(%run_scoped3A : memref<!tpu.dma_semaphore, #tpu.memory_space<semaphore_mem>>) src(%dma_wait3A_392 : memref<4x128xi32, #tpu.memory_space<hbm>>) dst(%arg15 : memref<4x128xi32, #tpu.memory_space<vmem>>)
      tpu.yield
    }) : () -> ()
    "tpu.region"() ({
      %run_scoped3A = tpu.sem_alloc : memref<!tpu.dma_semaphore, #tpu.memory_space<semaphore_mem>>
      %dma_start3A_385 = arith.constant 0 : i32
      %dma_start3A_386 = tpu.memref_slice %arg4[%mul3A_4, %dma_start3A_385] : memref<128x128xi32, #tpu.memory_space<hbm>> -> memref<4x128xi32, #tpu.memory_space<hbm>>
      %dma_start3A_387 = arith.constant 0 : i32
      %dma_start3A_388 = tpu.memref_slice %arg4[%mul3A_4, %dma_start3A_387] : memref<128x128xi32, #tpu.memory_space<hbm>> -> memref<4x128xi32, #tpu.memory_space<hbm>>
      tpu.enqueue_dma source(%dma_start3A_388 : memref<4x128xi32, #tpu.memory_space<hbm>>) target(%arg16 : memref<4x128xi32, #tpu.memory_space<vmem>>) target_semaphore(%run_scoped3A : memref<!tpu.dma_semaphore, #tpu.memory_space<semaphore_mem>>)
      %dma_wait3A_389 = arith.constant 0 : i32
      %dma_wait3A_390 = tpu.memref_slice %arg4[%mul3A_4, %dma_wait3A_389] : memref<128x128xi32, #tpu.memory_space<hbm>> -> memref<4x128xi32, #tpu.memory_space<hbm>>
      %dma_wait3A_391 = arith.constant 0 : i32
      %dma_wait3A_392 = tpu.memref_slice %arg4[%mul3A_4, %dma_wait3A_391] : memref<128x128xi32, #tpu.memory_space<hbm>> -> memref<4x128xi32, #tpu.memory_space<hbm>>
      tpu.wait_dma2 semaphore(%run_scoped3A : memref<!tpu.dma_semaphore, #tpu.memory_space<semaphore_mem>>) src(%dma_wait3A_392 : memref<4x128xi32, #tpu.memory_space<hbm>>) dst(%arg16 : memref<4x128xi32, #tpu.memory_space<vmem>>)
      tpu.yield
    }) : () -> ()
    %dma_start3A = arith.constant 0 : i32
    %dma_start3A_5 = arith.constant 0 : i32
    %dma_start3A_6 = arith.constant 0 : i32
    %dma_start3A_7 = tpu.memref_slice %arg17[%dma_start3A_5, %dma_start3A_6] : memref<512x16xf32, #tpu.memory_space<vmem>> -> memref<128x16xf32, #tpu.memory_space<vmem>>
    %dma_start3A_8 = arith.constant 0 : i32
    %dma_start3A_9 = tpu.memref_slice %arg14[%dma_start3A, %dma_start3A_8] : memref<4x128xi32, #tpu.memory_space<vmem>> -> memref<1x128xi32, #tpu.memory_space<vmem>>
    %dma_start3A_10 = tpu.memref_squeeze %dma_start3A_9 : memref<1x128xi32, #tpu.memory_space<vmem>> -> memref<128xi32, #tpu.memory_space<vmem>>
    %dma_start3A_11 = arith.constant 0 : i32
    %dma_start3A_12 = arith.constant 0 : i32
    %dma_start3A_13 = tpu.memref_slice %arg5[%dma_start3A_11, %dma_start3A_12] : memref<1000000x16xf32, #tpu.memory_space<hbm>> -> memref<1000000x16xf32, #tpu.memory_space<hbm>>
    tpu.enqueue_indirect_dma source(%dma_start3A_13 : memref<1000000x16xf32, #tpu.memory_space<hbm>>) target(%dma_start3A_7 : memref<128x16xf32, #tpu.memory_space<vmem>>) offsets(%dma_start3A_10 : memref<128xi32, #tpu.memory_space<vmem>>) semaphore(%arg22 : memref<!tpu.dma_semaphore, #tpu.memory_space<semaphore_mem>>)
    %dma_start3A_14 = arith.constant 0 : i32
    %dma_start3A_15 = arith.constant 0 : i32
    %dma_start3A_16 = arith.constant 0 : i32
    %dma_start3A_17 = tpu.memref_slice %arg18[%dma_start3A_15, %dma_start3A_16] : memref<512x16xf32, #tpu.memory_space<vmem>> -> memref<128x16xf32, #tpu.memory_space<vmem>>
    %dma_start3A_18 = arith.constant 0 : i32
    %dma_start3A_19 = tpu.memref_slice %arg14[%dma_start3A_14, %dma_start3A_18] : memref<4x128xi32, #tpu.memory_space<vmem>> -> memref<1x128xi32, #tpu.memory_space<vmem>>
    %dma_start3A_20 = tpu.memref_squeeze %dma_start3A_19 : memref<1x128xi32, #tpu.memory_space<vmem>> -> memref<128xi32, #tpu.memory_space<vmem>>
    %dma_start3A_21 = arith.constant 0 : i32
    %dma_start3A_22 = arith.constant 0 : i32
    %dma_start3A_23 = tpu.memref_slice %arg6[%dma_start3A_21, %dma_start3A_22] : memref<1000000x16xf32, #tpu.memory_space<hbm>> -> memref<1000000x16xf32, #tpu.memory_space<hbm>>
    tpu.enqueue_indirect_dma source(%dma_start3A_23 : memref<1000000x16xf32, #tpu.memory_space<hbm>>) target(%dma_start3A_17 : memref<128x16xf32, #tpu.memory_space<vmem>>) offsets(%dma_start3A_20 : memref<128xi32, #tpu.memory_space<vmem>>) semaphore(%arg22 : memref<!tpu.dma_semaphore, #tpu.memory_space<semaphore_mem>>)
    %dma_start3A_24 = arith.constant 0 : i32
    %dma_start3A_25 = arith.constant 0 : i32
    %dma_start3A_26 = arith.constant 0 : i32
    %dma_start3A_27 = tpu.memref_slice %arg19[%dma_start3A_25, %dma_start3A_26] : memref<512x16xf32, #tpu.memory_space<vmem>> -> memref<128x16xf32, #tpu.memory_space<vmem>>
    %dma_start3A_28 = arith.constant 0 : i32
    %dma_start3A_29 = tpu.memref_slice %arg15[%dma_start3A_24, %dma_start3A_28] : memref<4x128xi32, #tpu.memory_space<vmem>> -> memref<1x128xi32, #tpu.memory_space<vmem>>
    %dma_start3A_30 = tpu.memref_squeeze %dma_start3A_29 : memref<1x128xi32, #tpu.memory_space<vmem>> -> memref<128xi32, #tpu.memory_space<vmem>>
    %dma_start3A_31 = arith.constant 0 : i32
    %dma_start3A_32 = arith.constant 0 : i32
    %dma_start3A_33 = tpu.memref_slice %arg7[%dma_start3A_31, %dma_start3A_32] : memref<1000000x16xf32, #tpu.memory_space<hbm>> -> memref<1000000x16xf32, #tpu.memory_space<hbm>>
    tpu.enqueue_indirect_dma source(%dma_start3A_33 : memref<1000000x16xf32, #tpu.memory_space<hbm>>) target(%dma_start3A_27 : memref<128x16xf32, #tpu.memory_space<vmem>>) offsets(%dma_start3A_30 : memref<128xi32, #tpu.memory_space<vmem>>) semaphore(%arg22 : memref<!tpu.dma_semaphore, #tpu.memory_space<semaphore_mem>>)
    %dma_start3A_34 = arith.constant 0 : i32
    %dma_start3A_35 = arith.constant 0 : i32
    %dma_start3A_36 = arith.constant 0 : i32
    %dma_start3A_37 = tpu.memref_slice %arg20[%dma_start3A_35, %dma_start3A_36] : memref<512x16xf32, #tpu.memory_space<vmem>> -> memref<128x16xf32, #tpu.memory_space<vmem>>
    %dma_start3A_38 = arith.constant 0 : i32
    %dma_start3A_39 = tpu.memref_slice %arg16[%dma_start3A_34, %dma_start3A_38] : memref<4x128xi32, #tpu.memory_space<vmem>> -> memref<1x128xi32, #tpu.memory_space<vmem>>
    %dma_start3A_40 = tpu.memref_squeeze %dma_start3A_39 : memref<1x128xi32, #tpu.memory_space<vmem>> -> memref<128xi32, #tpu.memory_space<vmem>>
    %dma_start3A_41 = arith.constant 0 : i32
    %dma_start3A_42 = arith.constant 0 : i32
    %dma_start3A_43 = tpu.memref_slice %arg8[%dma_start3A_41, %dma_start3A_42] : memref<100000x16xf32, #tpu.memory_space<hbm>> -> memref<100000x16xf32, #tpu.memory_space<hbm>>
    tpu.enqueue_indirect_dma source(%dma_start3A_43 : memref<100000x16xf32, #tpu.memory_space<hbm>>) target(%dma_start3A_37 : memref<128x16xf32, #tpu.memory_space<vmem>>) offsets(%dma_start3A_40 : memref<128xi32, #tpu.memory_space<vmem>>) semaphore(%arg22 : memref<!tpu.dma_semaphore, #tpu.memory_space<semaphore_mem>>)
    %dma_start3A_44 = arith.constant 1 : i32
    %dma_start3A_45 = arith.constant 128 : i32
    %dma_start3A_46 = arith.constant 0 : i32
    %dma_start3A_47 = tpu.memref_slice %arg17[%dma_start3A_45, %dma_start3A_46] : memref<512x16xf32, #tpu.memory_space<vmem>> -> memref<128x16xf32, #tpu.memory_space<vmem>>
    %dma_start3A_48 = arith.constant 0 : i32
    %dma_start3A_49 = tpu.memref_slice %arg14[%dma_start3A_44, %dma_start3A_48] : memref<4x128xi32, #tpu.memory_space<vmem>> -> memref<1x128xi32, #tpu.memory_space<vmem>>
    %dma_start3A_50 = tpu.memref_squeeze %dma_start3A_49 : memref<1x128xi32, #tpu.memory_space<vmem>> -> memref<128xi32, #tpu.memory_space<vmem>>
    %dma_start3A_51 = arith.constant 0 : i32
    %dma_start3A_52 = arith.constant 0 : i32
    %dma_start3A_53 = tpu.memref_slice %arg5[%dma_start3A_51, %dma_start3A_52] : memref<1000000x16xf32, #tpu.memory_space<hbm>> -> memref<1000000x16xf32, #tpu.memory_space<hbm>>
    tpu.enqueue_indirect_dma source(%dma_start3A_53 : memref<1000000x16xf32, #tpu.memory_space<hbm>>) target(%dma_start3A_47 : memref<128x16xf32, #tpu.memory_space<vmem>>) offsets(%dma_start3A_50 : memref<128xi32, #tpu.memory_space<vmem>>) semaphore(%arg22 : memref<!tpu.dma_semaphore, #tpu.memory_space<semaphore_mem>>)
    %dma_start3A_54 = arith.constant 1 : i32
    %dma_start3A_55 = arith.constant 128 : i32
    %dma_start3A_56 = arith.constant 0 : i32
    %dma_start3A_57 = tpu.memref_slice %arg18[%dma_start3A_55, %dma_start3A_56] : memref<512x16xf32, #tpu.memory_space<vmem>> -> memref<128x16xf32, #tpu.memory_space<vmem>>
    %dma_start3A_58 = arith.constant 0 : i32
    %dma_start3A_59 = tpu.memref_slice %arg14[%dma_start3A_54, %dma_start3A_58] : memref<4x128xi32, #tpu.memory_space<vmem>> -> memref<1x128xi32, #tpu.memory_space<vmem>>
    %dma_start3A_60 = tpu.memref_squeeze %dma_start3A_59 : memref<1x128xi32, #tpu.memory_space<vmem>> -> memref<128xi32, #tpu.memory_space<vmem>>
    %dma_start3A_61 = arith.constant 0 : i32
    %dma_start3A_62 = arith.constant 0 : i32
    %dma_start3A_63 = tpu.memref_slice %arg6[%dma_start3A_61, %dma_start3A_62] : memref<1000000x16xf32, #tpu.memory_space<hbm>> -> memref<1000000x16xf32, #tpu.memory_space<hbm>>
    tpu.enqueue_indirect_dma source(%dma_start3A_63 : memref<1000000x16xf32, #tpu.memory_space<hbm>>) target(%dma_start3A_57 : memref<128x16xf32, #tpu.memory_space<vmem>>) offsets(%dma_start3A_60 : memref<128xi32, #tpu.memory_space<vmem>>) semaphore(%arg22 : memref<!tpu.dma_semaphore, #tpu.memory_space<semaphore_mem>>)
    %dma_start3A_64 = arith.constant 1 : i32
    %dma_start3A_65 = arith.constant 128 : i32
    %dma_start3A_66 = arith.constant 0 : i32
    %dma_start3A_67 = tpu.memref_slice %arg19[%dma_start3A_65, %dma_start3A_66] : memref<512x16xf32, #tpu.memory_space<vmem>> -> memref<128x16xf32, #tpu.memory_space<vmem>>
    %dma_start3A_68 = arith.constant 0 : i32
    %dma_start3A_69 = tpu.memref_slice %arg15[%dma_start3A_64, %dma_start3A_68] : memref<4x128xi32, #tpu.memory_space<vmem>> -> memref<1x128xi32, #tpu.memory_space<vmem>>
    %dma_start3A_70 = tpu.memref_squeeze %dma_start3A_69 : memref<1x128xi32, #tpu.memory_space<vmem>> -> memref<128xi32, #tpu.memory_space<vmem>>
    %dma_start3A_71 = arith.constant 0 : i32
    %dma_start3A_72 = arith.constant 0 : i32
    %dma_start3A_73 = tpu.memref_slice %arg7[%dma_start3A_71, %dma_start3A_72] : memref<1000000x16xf32, #tpu.memory_space<hbm>> -> memref<1000000x16xf32, #tpu.memory_space<hbm>>
    tpu.enqueue_indirect_dma source(%dma_start3A_73 : memref<1000000x16xf32, #tpu.memory_space<hbm>>) target(%dma_start3A_67 : memref<128x16xf32, #tpu.memory_space<vmem>>) offsets(%dma_start3A_70 : memref<128xi32, #tpu.memory_space<vmem>>) semaphore(%arg22 : memref<!tpu.dma_semaphore, #tpu.memory_space<semaphore_mem>>)
    %dma_start3A_74 = arith.constant 1 : i32
    %dma_start3A_75 = arith.constant 128 : i32
    %dma_start3A_76 = arith.constant 0 : i32
    %dma_start3A_77 = tpu.memref_slice %arg20[%dma_start3A_75, %dma_start3A_76] : memref<512x16xf32, #tpu.memory_space<vmem>> -> memref<128x16xf32, #tpu.memory_space<vmem>>
    %dma_start3A_78 = arith.constant 0 : i32
    %dma_start3A_79 = tpu.memref_slice %arg16[%dma_start3A_74, %dma_start3A_78] : memref<4x128xi32, #tpu.memory_space<vmem>> -> memref<1x128xi32, #tpu.memory_space<vmem>>
    %dma_start3A_80 = tpu.memref_squeeze %dma_start3A_79 : memref<1x128xi32, #tpu.memory_space<vmem>> -> memref<128xi32, #tpu.memory_space<vmem>>
    %dma_start3A_81 = arith.constant 0 : i32
    %dma_start3A_82 = arith.constant 0 : i32
    %dma_start3A_83 = tpu.memref_slice %arg8[%dma_start3A_81, %dma_start3A_82] : memref<100000x16xf32, #tpu.memory_space<hbm>> -> memref<100000x16xf32, #tpu.memory_space<hbm>>
    tpu.enqueue_indirect_dma source(%dma_start3A_83 : memref<100000x16xf32, #tpu.memory_space<hbm>>) target(%dma_start3A_77 : memref<128x16xf32, #tpu.memory_space<vmem>>) offsets(%dma_start3A_80 : memref<128xi32, #tpu.memory_space<vmem>>) semaphore(%arg22 : memref<!tpu.dma_semaphore, #tpu.memory_space<semaphore_mem>>)
    %dma_start3A_84 = arith.constant 2 : i32
    %dma_start3A_85 = arith.constant 256 : i32
    %dma_start3A_86 = arith.constant 0 : i32
    %dma_start3A_87 = tpu.memref_slice %arg17[%dma_start3A_85, %dma_start3A_86] : memref<512x16xf32, #tpu.memory_space<vmem>> -> memref<128x16xf32, #tpu.memory_space<vmem>>
    %dma_start3A_88 = arith.constant 0 : i32
    %dma_start3A_89 = tpu.memref_slice %arg14[%dma_start3A_84, %dma_start3A_88] : memref<4x128xi32, #tpu.memory_space<vmem>> -> memref<1x128xi32, #tpu.memory_space<vmem>>
    %dma_start3A_90 = tpu.memref_squeeze %dma_start3A_89 : memref<1x128xi32, #tpu.memory_space<vmem>> -> memref<128xi32, #tpu.memory_space<vmem>>
    %dma_start3A_91 = arith.constant 0 : i32
    %dma_start3A_92 = arith.constant 0 : i32
    %dma_start3A_93 = tpu.memref_slice %arg5[%dma_start3A_91, %dma_start3A_92] : memref<1000000x16xf32, #tpu.memory_space<hbm>> -> memref<1000000x16xf32, #tpu.memory_space<hbm>>
    tpu.enqueue_indirect_dma source(%dma_start3A_93 : memref<1000000x16xf32, #tpu.memory_space<hbm>>) target(%dma_start3A_87 : memref<128x16xf32, #tpu.memory_space<vmem>>) offsets(%dma_start3A_90 : memref<128xi32, #tpu.memory_space<vmem>>) semaphore(%arg22 : memref<!tpu.dma_semaphore, #tpu.memory_space<semaphore_mem>>)
    %dma_start3A_94 = arith.constant 2 : i32
    %dma_start3A_95 = arith.constant 256 : i32
    %dma_start3A_96 = arith.constant 0 : i32
    %dma_start3A_97 = tpu.memref_slice %arg18[%dma_start3A_95, %dma_start3A_96] : memref<512x16xf32, #tpu.memory_space<vmem>> -> memref<128x16xf32, #tpu.memory_space<vmem>>
    %dma_start3A_98 = arith.constant 0 : i32
    %dma_start3A_99 = tpu.memref_slice %arg14[%dma_start3A_94, %dma_start3A_98] : memref<4x128xi32, #tpu.memory_space<vmem>> -> memref<1x128xi32, #tpu.memory_space<vmem>>
    %dma_start3A_100 = tpu.memref_squeeze %dma_start3A_99 : memref<1x128xi32, #tpu.memory_space<vmem>> -> memref<128xi32, #tpu.memory_space<vmem>>
    %dma_start3A_101 = arith.constant 0 : i32
    %dma_start3A_102 = arith.constant 0 : i32
    %dma_start3A_103 = tpu.memref_slice %arg6[%dma_start3A_101, %dma_start3A_102] : memref<1000000x16xf32, #tpu.memory_space<hbm>> -> memref<1000000x16xf32, #tpu.memory_space<hbm>>
    tpu.enqueue_indirect_dma source(%dma_start3A_103 : memref<1000000x16xf32, #tpu.memory_space<hbm>>) target(%dma_start3A_97 : memref<128x16xf32, #tpu.memory_space<vmem>>) offsets(%dma_start3A_100 : memref<128xi32, #tpu.memory_space<vmem>>) semaphore(%arg22 : memref<!tpu.dma_semaphore, #tpu.memory_space<semaphore_mem>>)
    %dma_start3A_104 = arith.constant 2 : i32
    %dma_start3A_105 = arith.constant 256 : i32
    %dma_start3A_106 = arith.constant 0 : i32
    %dma_start3A_107 = tpu.memref_slice %arg19[%dma_start3A_105, %dma_start3A_106] : memref<512x16xf32, #tpu.memory_space<vmem>> -> memref<128x16xf32, #tpu.memory_space<vmem>>
    %dma_start3A_108 = arith.constant 0 : i32
    %dma_start3A_109 = tpu.memref_slice %arg15[%dma_start3A_104, %dma_start3A_108] : memref<4x128xi32, #tpu.memory_space<vmem>> -> memref<1x128xi32, #tpu.memory_space<vmem>>
    %dma_start3A_110 = tpu.memref_squeeze %dma_start3A_109 : memref<1x128xi32, #tpu.memory_space<vmem>> -> memref<128xi32, #tpu.memory_space<vmem>>
    %dma_start3A_111 = arith.constant 0 : i32
    %dma_start3A_112 = arith.constant 0 : i32
    %dma_start3A_113 = tpu.memref_slice %arg7[%dma_start3A_111, %dma_start3A_112] : memref<1000000x16xf32, #tpu.memory_space<hbm>> -> memref<1000000x16xf32, #tpu.memory_space<hbm>>
    tpu.enqueue_indirect_dma source(%dma_start3A_113 : memref<1000000x16xf32, #tpu.memory_space<hbm>>) target(%dma_start3A_107 : memref<128x16xf32, #tpu.memory_space<vmem>>) offsets(%dma_start3A_110 : memref<128xi32, #tpu.memory_space<vmem>>) semaphore(%arg22 : memref<!tpu.dma_semaphore, #tpu.memory_space<semaphore_mem>>)
    %dma_start3A_114 = arith.constant 2 : i32
    %dma_start3A_115 = arith.constant 256 : i32
    %dma_start3A_116 = arith.constant 0 : i32
    %dma_start3A_117 = tpu.memref_slice %arg20[%dma_start3A_115, %dma_start3A_116] : memref<512x16xf32, #tpu.memory_space<vmem>> -> memref<128x16xf32, #tpu.memory_space<vmem>>
    %dma_start3A_118 = arith.constant 0 : i32
    %dma_start3A_119 = tpu.memref_slice %arg16[%dma_start3A_114, %dma_start3A_118] : memref<4x128xi32, #tpu.memory_space<vmem>> -> memref<1x128xi32, #tpu.memory_space<vmem>>
    %dma_start3A_120 = tpu.memref_squeeze %dma_start3A_119 : memref<1x128xi32, #tpu.memory_space<vmem>> -> memref<128xi32, #tpu.memory_space<vmem>>
    %dma_start3A_121 = arith.constant 0 : i32
    %dma_start3A_122 = arith.constant 0 : i32
    %dma_start3A_123 = tpu.memref_slice %arg8[%dma_start3A_121, %dma_start3A_122] : memref<100000x16xf32, #tpu.memory_space<hbm>> -> memref<100000x16xf32, #tpu.memory_space<hbm>>
    tpu.enqueue_indirect_dma source(%dma_start3A_123 : memref<100000x16xf32, #tpu.memory_space<hbm>>) target(%dma_start3A_117 : memref<128x16xf32, #tpu.memory_space<vmem>>) offsets(%dma_start3A_120 : memref<128xi32, #tpu.memory_space<vmem>>) semaphore(%arg22 : memref<!tpu.dma_semaphore, #tpu.memory_space<semaphore_mem>>)
    %dma_start3A_124 = arith.constant 3 : i32
    %dma_start3A_125 = arith.constant 384 : i32
    %dma_start3A_126 = arith.constant 0 : i32
    %dma_start3A_127 = tpu.memref_slice %arg17[%dma_start3A_125, %dma_start3A_126] : memref<512x16xf32, #tpu.memory_space<vmem>> -> memref<128x16xf32, #tpu.memory_space<vmem>>
    %dma_start3A_128 = arith.constant 0 : i32
    %dma_start3A_129 = tpu.memref_slice %arg14[%dma_start3A_124, %dma_start3A_128] : memref<4x128xi32, #tpu.memory_space<vmem>> -> memref<1x128xi32, #tpu.memory_space<vmem>>
    %dma_start3A_130 = tpu.memref_squeeze %dma_start3A_129 : memref<1x128xi32, #tpu.memory_space<vmem>> -> memref<128xi32, #tpu.memory_space<vmem>>
    %dma_start3A_131 = arith.constant 0 : i32
    %dma_start3A_132 = arith.constant 0 : i32
    %dma_start3A_133 = tpu.memref_slice %arg5[%dma_start3A_131, %dma_start3A_132] : memref<1000000x16xf32, #tpu.memory_space<hbm>> -> memref<1000000x16xf32, #tpu.memory_space<hbm>>
    tpu.enqueue_indirect_dma source(%dma_start3A_133 : memref<1000000x16xf32, #tpu.memory_space<hbm>>) target(%dma_start3A_127 : memref<128x16xf32, #tpu.memory_space<vmem>>) offsets(%dma_start3A_130 : memref<128xi32, #tpu.memory_space<vmem>>) semaphore(%arg22 : memref<!tpu.dma_semaphore, #tpu.memory_space<semaphore_mem>>)
    %dma_start3A_134 = arith.constant 3 : i32
    %dma_start3A_135 = arith.constant 384 : i32
    %dma_start3A_136 = arith.constant 0 : i32
    %dma_start3A_137 = tpu.memref_slice %arg18[%dma_start3A_135, %dma_start3A_136] : memref<512x16xf32, #tpu.memory_space<vmem>> -> memref<128x16xf32, #tpu.memory_space<vmem>>
    %dma_start3A_138 = arith.constant 0 : i32
    %dma_start3A_139 = tpu.memref_slice %arg14[%dma_start3A_134, %dma_start3A_138] : memref<4x128xi32, #tpu.memory_space<vmem>> -> memref<1x128xi32, #tpu.memory_space<vmem>>
    %dma_start3A_140 = tpu.memref_squeeze %dma_start3A_139 : memref<1x128xi32, #tpu.memory_space<vmem>> -> memref<128xi32, #tpu.memory_space<vmem>>
    %dma_start3A_141 = arith.constant 0 : i32
    %dma_start3A_142 = arith.constant 0 : i32
    %dma_start3A_143 = tpu.memref_slice %arg6[%dma_start3A_141, %dma_start3A_142] : memref<1000000x16xf32, #tpu.memory_space<hbm>> -> memref<1000000x16xf32, #tpu.memory_space<hbm>>
    tpu.enqueue_indirect_dma source(%dma_start3A_143 : memref<1000000x16xf32, #tpu.memory_space<hbm>>) target(%dma_start3A_137 : memref<128x16xf32, #tpu.memory_space<vmem>>) offsets(%dma_start3A_140 : memref<128xi32, #tpu.memory_space<vmem>>) semaphore(%arg22 : memref<!tpu.dma_semaphore, #tpu.memory_space<semaphore_mem>>)
    %dma_start3A_144 = arith.constant 3 : i32
    %dma_start3A_145 = arith.constant 384 : i32
    %dma_start3A_146 = arith.constant 0 : i32
    %dma_start3A_147 = tpu.memref_slice %arg19[%dma_start3A_145, %dma_start3A_146] : memref<512x16xf32, #tpu.memory_space<vmem>> -> memref<128x16xf32, #tpu.memory_space<vmem>>
    %dma_start3A_148 = arith.constant 0 : i32
    %dma_start3A_149 = tpu.memref_slice %arg15[%dma_start3A_144, %dma_start3A_148] : memref<4x128xi32, #tpu.memory_space<vmem>> -> memref<1x128xi32, #tpu.memory_space<vmem>>
    %dma_start3A_150 = tpu.memref_squeeze %dma_start3A_149 : memref<1x128xi32, #tpu.memory_space<vmem>> -> memref<128xi32, #tpu.memory_space<vmem>>
    %dma_start3A_151 = arith.constant 0 : i32
    %dma_start3A_152 = arith.constant 0 : i32
    %dma_start3A_153 = tpu.memref_slice %arg7[%dma_start3A_151, %dma_start3A_152] : memref<1000000x16xf32, #tpu.memory_space<hbm>> -> memref<1000000x16xf32, #tpu.memory_space<hbm>>
    tpu.enqueue_indirect_dma source(%dma_start3A_153 : memref<1000000x16xf32, #tpu.memory_space<hbm>>) target(%dma_start3A_147 : memref<128x16xf32, #tpu.memory_space<vmem>>) offsets(%dma_start3A_150 : memref<128xi32, #tpu.memory_space<vmem>>) semaphore(%arg22 : memref<!tpu.dma_semaphore, #tpu.memory_space<semaphore_mem>>)
    %dma_start3A_154 = arith.constant 3 : i32
    %dma_start3A_155 = arith.constant 384 : i32
    %dma_start3A_156 = arith.constant 0 : i32
    %dma_start3A_157 = tpu.memref_slice %arg20[%dma_start3A_155, %dma_start3A_156] : memref<512x16xf32, #tpu.memory_space<vmem>> -> memref<128x16xf32, #tpu.memory_space<vmem>>
    %dma_start3A_158 = arith.constant 0 : i32
    %dma_start3A_159 = tpu.memref_slice %arg16[%dma_start3A_154, %dma_start3A_158] : memref<4x128xi32, #tpu.memory_space<vmem>> -> memref<1x128xi32, #tpu.memory_space<vmem>>
    %dma_start3A_160 = tpu.memref_squeeze %dma_start3A_159 : memref<1x128xi32, #tpu.memory_space<vmem>> -> memref<128xi32, #tpu.memory_space<vmem>>
    %dma_start3A_161 = arith.constant 0 : i32
    %dma_start3A_162 = arith.constant 0 : i32
    %dma_start3A_163 = tpu.memref_slice %arg8[%dma_start3A_161, %dma_start3A_162] : memref<100000x16xf32, #tpu.memory_space<hbm>> -> memref<100000x16xf32, #tpu.memory_space<hbm>>
    tpu.enqueue_indirect_dma source(%dma_start3A_163 : memref<100000x16xf32, #tpu.memory_space<hbm>>) target(%dma_start3A_157 : memref<128x16xf32, #tpu.memory_space<vmem>>) offsets(%dma_start3A_160 : memref<128xi32, #tpu.memory_space<vmem>>) semaphore(%arg22 : memref<!tpu.dma_semaphore, #tpu.memory_space<semaphore_mem>>)
    %dma_wait3A = arith.constant 0 : i32
    %dma_wait3A_164 = arith.constant 0 : i32
    %dma_wait3A_165 = arith.constant 0 : i32
    %dma_wait3A_166 = tpu.memref_slice %arg17[%dma_wait3A_164, %dma_wait3A_165] : memref<512x16xf32, #tpu.memory_space<vmem>> -> memref<128x16xf32, #tpu.memory_space<vmem>>
    %dma_wait3A_167 = arith.constant 0 : i32
    %dma_wait3A_168 = tpu.memref_slice %arg14[%dma_wait3A, %dma_wait3A_167] : memref<4x128xi32, #tpu.memory_space<vmem>> -> memref<1x128xi32, #tpu.memory_space<vmem>>
    %dma_wait3A_169 = tpu.memref_squeeze %dma_wait3A_168 : memref<1x128xi32, #tpu.memory_space<vmem>> -> memref<128xi32, #tpu.memory_space<vmem>>
    %dma_wait3A_170 = arith.constant 0 : i32
    %dma_wait3A_171 = arith.constant 0 : i32
    %dma_wait3A_172 = tpu.memref_slice %arg5[%dma_wait3A_170, %dma_wait3A_171] : memref<1000000x16xf32, #tpu.memory_space<hbm>> -> memref<1000000x16xf32, #tpu.memory_space<hbm>>
    tpu.wait_indirect_dma semaphore(%arg22 : memref<!tpu.dma_semaphore, #tpu.memory_space<semaphore_mem>>) src(%dma_wait3A_172 : memref<1000000x16xf32, #tpu.memory_space<hbm>>) dst(%dma_wait3A_166 : memref<128x16xf32, #tpu.memory_space<vmem>>)
    %dma_wait3A_173 = arith.constant 0 : i32
    %dma_wait3A_174 = arith.constant 0 : i32
    %dma_wait3A_175 = arith.constant 0 : i32
    %dma_wait3A_176 = tpu.memref_slice %arg18[%dma_wait3A_174, %dma_wait3A_175] : memref<512x16xf32, #tpu.memory_space<vmem>> -> memref<128x16xf32, #tpu.memory_space<vmem>>
    %dma_wait3A_177 = arith.constant 0 : i32
    %dma_wait3A_178 = tpu.memref_slice %arg14[%dma_wait3A_173, %dma_wait3A_177] : memref<4x128xi32, #tpu.memory_space<vmem>> -> memref<1x128xi32, #tpu.memory_space<vmem>>
    %dma_wait3A_179 = tpu.memref_squeeze %dma_wait3A_178 : memref<1x128xi32, #tpu.memory_space<vmem>> -> memref<128xi32, #tpu.memory_space<vmem>>
    %dma_wait3A_180 = arith.constant 0 : i32
    %dma_wait3A_181 = arith.constant 0 : i32
    %dma_wait3A_182 = tpu.memref_slice %arg6[%dma_wait3A_180, %dma_wait3A_181] : memref<1000000x16xf32, #tpu.memory_space<hbm>> -> memref<1000000x16xf32, #tpu.memory_space<hbm>>
    tpu.wait_indirect_dma semaphore(%arg22 : memref<!tpu.dma_semaphore, #tpu.memory_space<semaphore_mem>>) src(%dma_wait3A_182 : memref<1000000x16xf32, #tpu.memory_space<hbm>>) dst(%dma_wait3A_176 : memref<128x16xf32, #tpu.memory_space<vmem>>)
    %dma_wait3A_183 = arith.constant 0 : i32
    %dma_wait3A_184 = arith.constant 0 : i32
    %dma_wait3A_185 = arith.constant 0 : i32
    %dma_wait3A_186 = tpu.memref_slice %arg19[%dma_wait3A_184, %dma_wait3A_185] : memref<512x16xf32, #tpu.memory_space<vmem>> -> memref<128x16xf32, #tpu.memory_space<vmem>>
    %dma_wait3A_187 = arith.constant 0 : i32
    %dma_wait3A_188 = tpu.memref_slice %arg15[%dma_wait3A_183, %dma_wait3A_187] : memref<4x128xi32, #tpu.memory_space<vmem>> -> memref<1x128xi32, #tpu.memory_space<vmem>>
    %dma_wait3A_189 = tpu.memref_squeeze %dma_wait3A_188 : memref<1x128xi32, #tpu.memory_space<vmem>> -> memref<128xi32, #tpu.memory_space<vmem>>
    %dma_wait3A_190 = arith.constant 0 : i32
    %dma_wait3A_191 = arith.constant 0 : i32
    %dma_wait3A_192 = tpu.memref_slice %arg7[%dma_wait3A_190, %dma_wait3A_191] : memref<1000000x16xf32, #tpu.memory_space<hbm>> -> memref<1000000x16xf32, #tpu.memory_space<hbm>>
    tpu.wait_indirect_dma semaphore(%arg22 : memref<!tpu.dma_semaphore, #tpu.memory_space<semaphore_mem>>) src(%dma_wait3A_192 : memref<1000000x16xf32, #tpu.memory_space<hbm>>) dst(%dma_wait3A_186 : memref<128x16xf32, #tpu.memory_space<vmem>>)
    %dma_wait3A_193 = arith.constant 0 : i32
    %dma_wait3A_194 = arith.constant 0 : i32
    %dma_wait3A_195 = arith.constant 0 : i32
    %dma_wait3A_196 = tpu.memref_slice %arg20[%dma_wait3A_194, %dma_wait3A_195] : memref<512x16xf32, #tpu.memory_space<vmem>> -> memref<128x16xf32, #tpu.memory_space<vmem>>
    %dma_wait3A_197 = arith.constant 0 : i32
    %dma_wait3A_198 = tpu.memref_slice %arg16[%dma_wait3A_193, %dma_wait3A_197] : memref<4x128xi32, #tpu.memory_space<vmem>> -> memref<1x128xi32, #tpu.memory_space<vmem>>
    %dma_wait3A_199 = tpu.memref_squeeze %dma_wait3A_198 : memref<1x128xi32, #tpu.memory_space<vmem>> -> memref<128xi32, #tpu.memory_space<vmem>>
    %dma_wait3A_200 = arith.constant 0 : i32
    %dma_wait3A_201 = arith.constant 0 : i32
    %dma_wait3A_202 = tpu.memref_slice %arg8[%dma_wait3A_200, %dma_wait3A_201] : memref<100000x16xf32, #tpu.memory_space<hbm>> -> memref<100000x16xf32, #tpu.memory_space<hbm>>
    tpu.wait_indirect_dma semaphore(%arg22 : memref<!tpu.dma_semaphore, #tpu.memory_space<semaphore_mem>>) src(%dma_wait3A_202 : memref<100000x16xf32, #tpu.memory_space<hbm>>) dst(%dma_wait3A_196 : memref<128x16xf32, #tpu.memory_space<vmem>>)
    %dma_wait3A_203 = arith.constant 1 : i32
    %dma_wait3A_204 = arith.constant 128 : i32
    %dma_wait3A_205 = arith.constant 0 : i32
    %dma_wait3A_206 = tpu.memref_slice %arg17[%dma_wait3A_204, %dma_wait3A_205] : memref<512x16xf32, #tpu.memory_space<vmem>> -> memref<128x16xf32, #tpu.memory_space<vmem>>
    %dma_wait3A_207 = arith.constant 0 : i32
    %dma_wait3A_208 = tpu.memref_slice %arg14[%dma_wait3A_203, %dma_wait3A_207] : memref<4x128xi32, #tpu.memory_space<vmem>> -> memref<1x128xi32, #tpu.memory_space<vmem>>
    %dma_wait3A_209 = tpu.memref_squeeze %dma_wait3A_208 : memref<1x128xi32, #tpu.memory_space<vmem>> -> memref<128xi32, #tpu.memory_space<vmem>>
    %dma_wait3A_210 = arith.constant 0 : i32
    %dma_wait3A_211 = arith.constant 0 : i32
    %dma_wait3A_212 = tpu.memref_slice %arg5[%dma_wait3A_210, %dma_wait3A_211] : memref<1000000x16xf32, #tpu.memory_space<hbm>> -> memref<1000000x16xf32, #tpu.memory_space<hbm>>
    tpu.wait_indirect_dma semaphore(%arg22 : memref<!tpu.dma_semaphore, #tpu.memory_space<semaphore_mem>>) src(%dma_wait3A_212 : memref<1000000x16xf32, #tpu.memory_space<hbm>>) dst(%dma_wait3A_206 : memref<128x16xf32, #tpu.memory_space<vmem>>)
    %dma_wait3A_213 = arith.constant 1 : i32
    %dma_wait3A_214 = arith.constant 128 : i32
    %dma_wait3A_215 = arith.constant 0 : i32
    %dma_wait3A_216 = tpu.memref_slice %arg18[%dma_wait3A_214, %dma_wait3A_215] : memref<512x16xf32, #tpu.memory_space<vmem>> -> memref<128x16xf32, #tpu.memory_space<vmem>>
    %dma_wait3A_217 = arith.constant 0 : i32
    %dma_wait3A_218 = tpu.memref_slice %arg14[%dma_wait3A_213, %dma_wait3A_217] : memref<4x128xi32, #tpu.memory_space<vmem>> -> memref<1x128xi32, #tpu.memory_space<vmem>>
    %dma_wait3A_219 = tpu.memref_squeeze %dma_wait3A_218 : memref<1x128xi32, #tpu.memory_space<vmem>> -> memref<128xi32, #tpu.memory_space<vmem>>
    %dma_wait3A_220 = arith.constant 0 : i32
    %dma_wait3A_221 = arith.constant 0 : i32
    %dma_wait3A_222 = tpu.memref_slice %arg6[%dma_wait3A_220, %dma_wait3A_221] : memref<1000000x16xf32, #tpu.memory_space<hbm>> -> memref<1000000x16xf32, #tpu.memory_space<hbm>>
    tpu.wait_indirect_dma semaphore(%arg22 : memref<!tpu.dma_semaphore, #tpu.memory_space<semaphore_mem>>) src(%dma_wait3A_222 : memref<1000000x16xf32, #tpu.memory_space<hbm>>) dst(%dma_wait3A_216 : memref<128x16xf32, #tpu.memory_space<vmem>>)
    %dma_wait3A_223 = arith.constant 1 : i32
    %dma_wait3A_224 = arith.constant 128 : i32
    %dma_wait3A_225 = arith.constant 0 : i32
    %dma_wait3A_226 = tpu.memref_slice %arg19[%dma_wait3A_224, %dma_wait3A_225] : memref<512x16xf32, #tpu.memory_space<vmem>> -> memref<128x16xf32, #tpu.memory_space<vmem>>
    %dma_wait3A_227 = arith.constant 0 : i32
    %dma_wait3A_228 = tpu.memref_slice %arg15[%dma_wait3A_223, %dma_wait3A_227] : memref<4x128xi32, #tpu.memory_space<vmem>> -> memref<1x128xi32, #tpu.memory_space<vmem>>
    %dma_wait3A_229 = tpu.memref_squeeze %dma_wait3A_228 : memref<1x128xi32, #tpu.memory_space<vmem>> -> memref<128xi32, #tpu.memory_space<vmem>>
    %dma_wait3A_230 = arith.constant 0 : i32
    %dma_wait3A_231 = arith.constant 0 : i32
    %dma_wait3A_232 = tpu.memref_slice %arg7[%dma_wait3A_230, %dma_wait3A_231] : memref<1000000x16xf32, #tpu.memory_space<hbm>> -> memref<1000000x16xf32, #tpu.memory_space<hbm>>
    tpu.wait_indirect_dma semaphore(%arg22 : memref<!tpu.dma_semaphore, #tpu.memory_space<semaphore_mem>>) src(%dma_wait3A_232 : memref<1000000x16xf32, #tpu.memory_space<hbm>>) dst(%dma_wait3A_226 : memref<128x16xf32, #tpu.memory_space<vmem>>)
    %dma_wait3A_233 = arith.constant 1 : i32
    %dma_wait3A_234 = arith.constant 128 : i32
    %dma_wait3A_235 = arith.constant 0 : i32
    %dma_wait3A_236 = tpu.memref_slice %arg20[%dma_wait3A_234, %dma_wait3A_235] : memref<512x16xf32, #tpu.memory_space<vmem>> -> memref<128x16xf32, #tpu.memory_space<vmem>>
    %dma_wait3A_237 = arith.constant 0 : i32
    %dma_wait3A_238 = tpu.memref_slice %arg16[%dma_wait3A_233, %dma_wait3A_237] : memref<4x128xi32, #tpu.memory_space<vmem>> -> memref<1x128xi32, #tpu.memory_space<vmem>>
    %dma_wait3A_239 = tpu.memref_squeeze %dma_wait3A_238 : memref<1x128xi32, #tpu.memory_space<vmem>> -> memref<128xi32, #tpu.memory_space<vmem>>
    %dma_wait3A_240 = arith.constant 0 : i32
    %dma_wait3A_241 = arith.constant 0 : i32
    %dma_wait3A_242 = tpu.memref_slice %arg8[%dma_wait3A_240, %dma_wait3A_241] : memref<100000x16xf32, #tpu.memory_space<hbm>> -> memref<100000x16xf32, #tpu.memory_space<hbm>>
    tpu.wait_indirect_dma semaphore(%arg22 : memref<!tpu.dma_semaphore, #tpu.memory_space<semaphore_mem>>) src(%dma_wait3A_242 : memref<100000x16xf32, #tpu.memory_space<hbm>>) dst(%dma_wait3A_236 : memref<128x16xf32, #tpu.memory_space<vmem>>)
    %dma_wait3A_243 = arith.constant 2 : i32
    %dma_wait3A_244 = arith.constant 256 : i32
    %dma_wait3A_245 = arith.constant 0 : i32
    %dma_wait3A_246 = tpu.memref_slice %arg17[%dma_wait3A_244, %dma_wait3A_245] : memref<512x16xf32, #tpu.memory_space<vmem>> -> memref<128x16xf32, #tpu.memory_space<vmem>>
    %dma_wait3A_247 = arith.constant 0 : i32
    %dma_wait3A_248 = tpu.memref_slice %arg14[%dma_wait3A_243, %dma_wait3A_247] : memref<4x128xi32, #tpu.memory_space<vmem>> -> memref<1x128xi32, #tpu.memory_space<vmem>>
    %dma_wait3A_249 = tpu.memref_squeeze %dma_wait3A_248 : memref<1x128xi32, #tpu.memory_space<vmem>> -> memref<128xi32, #tpu.memory_space<vmem>>
    %dma_wait3A_250 = arith.constant 0 : i32
    %dma_wait3A_251 = arith.constant 0 : i32
    %dma_wait3A_252 = tpu.memref_slice %arg5[%dma_wait3A_250, %dma_wait3A_251] : memref<1000000x16xf32, #tpu.memory_space<hbm>> -> memref<1000000x16xf32, #tpu.memory_space<hbm>>
    tpu.wait_indirect_dma semaphore(%arg22 : memref<!tpu.dma_semaphore, #tpu.memory_space<semaphore_mem>>) src(%dma_wait3A_252 : memref<1000000x16xf32, #tpu.memory_space<hbm>>) dst(%dma_wait3A_246 : memref<128x16xf32, #tpu.memory_space<vmem>>)
    %dma_wait3A_253 = arith.constant 2 : i32
    %dma_wait3A_254 = arith.constant 256 : i32
    %dma_wait3A_255 = arith.constant 0 : i32
    %dma_wait3A_256 = tpu.memref_slice %arg18[%dma_wait3A_254, %dma_wait3A_255] : memref<512x16xf32, #tpu.memory_space<vmem>> -> memref<128x16xf32, #tpu.memory_space<vmem>>
    %dma_wait3A_257 = arith.constant 0 : i32
    %dma_wait3A_258 = tpu.memref_slice %arg14[%dma_wait3A_253, %dma_wait3A_257] : memref<4x128xi32, #tpu.memory_space<vmem>> -> memref<1x128xi32, #tpu.memory_space<vmem>>
    %dma_wait3A_259 = tpu.memref_squeeze %dma_wait3A_258 : memref<1x128xi32, #tpu.memory_space<vmem>> -> memref<128xi32, #tpu.memory_space<vmem>>
    %dma_wait3A_260 = arith.constant 0 : i32
    %dma_wait3A_261 = arith.constant 0 : i32
    %dma_wait3A_262 = tpu.memref_slice %arg6[%dma_wait3A_260, %dma_wait3A_261] : memref<1000000x16xf32, #tpu.memory_space<hbm>> -> memref<1000000x16xf32, #tpu.memory_space<hbm>>
    tpu.wait_indirect_dma semaphore(%arg22 : memref<!tpu.dma_semaphore, #tpu.memory_space<semaphore_mem>>) src(%dma_wait3A_262 : memref<1000000x16xf32, #tpu.memory_space<hbm>>) dst(%dma_wait3A_256 : memref<128x16xf32, #tpu.memory_space<vmem>>)
    %dma_wait3A_263 = arith.constant 2 : i32
    %dma_wait3A_264 = arith.constant 256 : i32
    %dma_wait3A_265 = arith.constant 0 : i32
    %dma_wait3A_266 = tpu.memref_slice %arg19[%dma_wait3A_264, %dma_wait3A_265] : memref<512x16xf32, #tpu.memory_space<vmem>> -> memref<128x16xf32, #tpu.memory_space<vmem>>
    %dma_wait3A_267 = arith.constant 0 : i32
    %dma_wait3A_268 = tpu.memref_slice %arg15[%dma_wait3A_263, %dma_wait3A_267] : memref<4x128xi32, #tpu.memory_space<vmem>> -> memref<1x128xi32, #tpu.memory_space<vmem>>
    %dma_wait3A_269 = tpu.memref_squeeze %dma_wait3A_268 : memref<1x128xi32, #tpu.memory_space<vmem>> -> memref<128xi32, #tpu.memory_space<vmem>>
    %dma_wait3A_270 = arith.constant 0 : i32
    %dma_wait3A_271 = arith.constant 0 : i32
    %dma_wait3A_272 = tpu.memref_slice %arg7[%dma_wait3A_270, %dma_wait3A_271] : memref<1000000x16xf32, #tpu.memory_space<hbm>> -> memref<1000000x16xf32, #tpu.memory_space<hbm>>
    tpu.wait_indirect_dma semaphore(%arg22 : memref<!tpu.dma_semaphore, #tpu.memory_space<semaphore_mem>>) src(%dma_wait3A_272 : memref<1000000x16xf32, #tpu.memory_space<hbm>>) dst(%dma_wait3A_266 : memref<128x16xf32, #tpu.memory_space<vmem>>)
    %dma_wait3A_273 = arith.constant 2 : i32
    %dma_wait3A_274 = arith.constant 256 : i32
    %dma_wait3A_275 = arith.constant 0 : i32
    %dma_wait3A_276 = tpu.memref_slice %arg20[%dma_wait3A_274, %dma_wait3A_275] : memref<512x16xf32, #tpu.memory_space<vmem>> -> memref<128x16xf32, #tpu.memory_space<vmem>>
    %dma_wait3A_277 = arith.constant 0 : i32
    %dma_wait3A_278 = tpu.memref_slice %arg16[%dma_wait3A_273, %dma_wait3A_277] : memref<4x128xi32, #tpu.memory_space<vmem>> -> memref<1x128xi32, #tpu.memory_space<vmem>>
    %dma_wait3A_279 = tpu.memref_squeeze %dma_wait3A_278 : memref<1x128xi32, #tpu.memory_space<vmem>> -> memref<128xi32, #tpu.memory_space<vmem>>
    %dma_wait3A_280 = arith.constant 0 : i32
    %dma_wait3A_281 = arith.constant 0 : i32
    %dma_wait3A_282 = tpu.memref_slice %arg8[%dma_wait3A_280, %dma_wait3A_281] : memref<100000x16xf32, #tpu.memory_space<hbm>> -> memref<100000x16xf32, #tpu.memory_space<hbm>>
    tpu.wait_indirect_dma semaphore(%arg22 : memref<!tpu.dma_semaphore, #tpu.memory_space<semaphore_mem>>) src(%dma_wait3A_282 : memref<100000x16xf32, #tpu.memory_space<hbm>>) dst(%dma_wait3A_276 : memref<128x16xf32, #tpu.memory_space<vmem>>)
    %dma_wait3A_283 = arith.constant 3 : i32
    %dma_wait3A_284 = arith.constant 384 : i32
    %dma_wait3A_285 = arith.constant 0 : i32
    %dma_wait3A_286 = tpu.memref_slice %arg17[%dma_wait3A_284, %dma_wait3A_285] : memref<512x16xf32, #tpu.memory_space<vmem>> -> memref<128x16xf32, #tpu.memory_space<vmem>>
    %dma_wait3A_287 = arith.constant 0 : i32
    %dma_wait3A_288 = tpu.memref_slice %arg14[%dma_wait3A_283, %dma_wait3A_287] : memref<4x128xi32, #tpu.memory_space<vmem>> -> memref<1x128xi32, #tpu.memory_space<vmem>>
    %dma_wait3A_289 = tpu.memref_squeeze %dma_wait3A_288 : memref<1x128xi32, #tpu.memory_space<vmem>> -> memref<128xi32, #tpu.memory_space<vmem>>
    %dma_wait3A_290 = arith.constant 0 : i32
    %dma_wait3A_291 = arith.constant 0 : i32
    %dma_wait3A_292 = tpu.memref_slice %arg5[%dma_wait3A_290, %dma_wait3A_291] : memref<1000000x16xf32, #tpu.memory_space<hbm>> -> memref<1000000x16xf32, #tpu.memory_space<hbm>>
    tpu.wait_indirect_dma semaphore(%arg22 : memref<!tpu.dma_semaphore, #tpu.memory_space<semaphore_mem>>) src(%dma_wait3A_292 : memref<1000000x16xf32, #tpu.memory_space<hbm>>) dst(%dma_wait3A_286 : memref<128x16xf32, #tpu.memory_space<vmem>>)
    %dma_wait3A_293 = arith.constant 3 : i32
    %dma_wait3A_294 = arith.constant 384 : i32
    %dma_wait3A_295 = arith.constant 0 : i32
    %dma_wait3A_296 = tpu.memref_slice %arg18[%dma_wait3A_294, %dma_wait3A_295] : memref<512x16xf32, #tpu.memory_space<vmem>> -> memref<128x16xf32, #tpu.memory_space<vmem>>
    %dma_wait3A_297 = arith.constant 0 : i32
    %dma_wait3A_298 = tpu.memref_slice %arg14[%dma_wait3A_293, %dma_wait3A_297] : memref<4x128xi32, #tpu.memory_space<vmem>> -> memref<1x128xi32, #tpu.memory_space<vmem>>
    %dma_wait3A_299 = tpu.memref_squeeze %dma_wait3A_298 : memref<1x128xi32, #tpu.memory_space<vmem>> -> memref<128xi32, #tpu.memory_space<vmem>>
    %dma_wait3A_300 = arith.constant 0 : i32
    %dma_wait3A_301 = arith.constant 0 : i32
    %dma_wait3A_302 = tpu.memref_slice %arg6[%dma_wait3A_300, %dma_wait3A_301] : memref<1000000x16xf32, #tpu.memory_space<hbm>> -> memref<1000000x16xf32, #tpu.memory_space<hbm>>
    tpu.wait_indirect_dma semaphore(%arg22 : memref<!tpu.dma_semaphore, #tpu.memory_space<semaphore_mem>>) src(%dma_wait3A_302 : memref<1000000x16xf32, #tpu.memory_space<hbm>>) dst(%dma_wait3A_296 : memref<128x16xf32, #tpu.memory_space<vmem>>)
    %dma_wait3A_303 = arith.constant 3 : i32
    %dma_wait3A_304 = arith.constant 384 : i32
    %dma_wait3A_305 = arith.constant 0 : i32
    %dma_wait3A_306 = tpu.memref_slice %arg19[%dma_wait3A_304, %dma_wait3A_305] : memref<512x16xf32, #tpu.memory_space<vmem>> -> memref<128x16xf32, #tpu.memory_space<vmem>>
    %dma_wait3A_307 = arith.constant 0 : i32
    %dma_wait3A_308 = tpu.memref_slice %arg15[%dma_wait3A_303, %dma_wait3A_307] : memref<4x128xi32, #tpu.memory_space<vmem>> -> memref<1x128xi32, #tpu.memory_space<vmem>>
    %dma_wait3A_309 = tpu.memref_squeeze %dma_wait3A_308 : memref<1x128xi32, #tpu.memory_space<vmem>> -> memref<128xi32, #tpu.memory_space<vmem>>
    %dma_wait3A_310 = arith.constant 0 : i32
    %dma_wait3A_311 = arith.constant 0 : i32
    %dma_wait3A_312 = tpu.memref_slice %arg7[%dma_wait3A_310, %dma_wait3A_311] : memref<1000000x16xf32, #tpu.memory_space<hbm>> -> memref<1000000x16xf32, #tpu.memory_space<hbm>>
    tpu.wait_indirect_dma semaphore(%arg22 : memref<!tpu.dma_semaphore, #tpu.memory_space<semaphore_mem>>) src(%dma_wait3A_312 : memref<1000000x16xf32, #tpu.memory_space<hbm>>) dst(%dma_wait3A_306 : memref<128x16xf32, #tpu.memory_space<vmem>>)
    %dma_wait3A_313 = arith.constant 3 : i32
    %dma_wait3A_314 = arith.constant 384 : i32
    %dma_wait3A_315 = arith.constant 0 : i32
    %dma_wait3A_316 = tpu.memref_slice %arg20[%dma_wait3A_314, %dma_wait3A_315] : memref<512x16xf32, #tpu.memory_space<vmem>> -> memref<128x16xf32, #tpu.memory_space<vmem>>
    %dma_wait3A_317 = arith.constant 0 : i32
    %dma_wait3A_318 = tpu.memref_slice %arg16[%dma_wait3A_313, %dma_wait3A_317] : memref<4x128xi32, #tpu.memory_space<vmem>> -> memref<1x128xi32, #tpu.memory_space<vmem>>
    %dma_wait3A_319 = tpu.memref_squeeze %dma_wait3A_318 : memref<1x128xi32, #tpu.memory_space<vmem>> -> memref<128xi32, #tpu.memory_space<vmem>>
    %dma_wait3A_320 = arith.constant 0 : i32
    %dma_wait3A_321 = arith.constant 0 : i32
    %dma_wait3A_322 = tpu.memref_slice %arg8[%dma_wait3A_320, %dma_wait3A_321] : memref<100000x16xf32, #tpu.memory_space<hbm>> -> memref<100000x16xf32, #tpu.memory_space<hbm>>
    tpu.wait_indirect_dma semaphore(%arg22 : memref<!tpu.dma_semaphore, #tpu.memory_space<semaphore_mem>>) src(%dma_wait3A_322 : memref<100000x16xf32, #tpu.memory_space<hbm>>) dst(%dma_wait3A_316 : memref<128x16xf32, #tpu.memory_space<vmem>>)
    %dma_start3A_323 = arith.constant 0 : i32
    %dma_start3A_324 = tpu.memref_slice %arg9[%mul3A_2, %dma_start3A_323] : memref<16384x16xf32, #tpu.memory_space<hbm>> -> memref<512x16xf32, #tpu.memory_space<hbm>>
    %dma_start3A_325 = arith.constant 0 : i32
    %dma_start3A_326 = tpu.memref_slice %arg9[%mul3A_2, %dma_start3A_325] : memref<16384x16xf32, #tpu.memory_space<hbm>> -> memref<512x16xf32, #tpu.memory_space<hbm>>
    tpu.enqueue_dma source(%arg17 : memref<512x16xf32, #tpu.memory_space<vmem>>) target(%dma_start3A_326 : memref<512x16xf32, #tpu.memory_space<hbm>>) target_semaphore(%arg22 : memref<!tpu.dma_semaphore, #tpu.memory_space<semaphore_mem>>)
    %dma_start3A_327 = arith.constant 0 : i32
    %dma_start3A_328 = tpu.memref_slice %arg11[%mul3A_2, %dma_start3A_327] : memref<16384x16xf32, #tpu.memory_space<hbm>> -> memref<512x16xf32, #tpu.memory_space<hbm>>
    %dma_start3A_329 = arith.constant 0 : i32
    %dma_start3A_330 = tpu.memref_slice %arg11[%mul3A_2, %dma_start3A_329] : memref<16384x16xf32, #tpu.memory_space<hbm>> -> memref<512x16xf32, #tpu.memory_space<hbm>>
    tpu.enqueue_dma source(%arg19 : memref<512x16xf32, #tpu.memory_space<vmem>>) target(%dma_start3A_330 : memref<512x16xf32, #tpu.memory_space<hbm>>) target_semaphore(%arg22 : memref<!tpu.dma_semaphore, #tpu.memory_space<semaphore_mem>>)
    %dma_start3A_331 = arith.constant 0 : i32
    %dma_start3A_332 = tpu.memref_slice %arg12[%mul3A_2, %dma_start3A_331] : memref<16384x16xf32, #tpu.memory_space<hbm>> -> memref<512x16xf32, #tpu.memory_space<hbm>>
    %dma_start3A_333 = arith.constant 0 : i32
    %dma_start3A_334 = tpu.memref_slice %arg12[%mul3A_2, %dma_start3A_333] : memref<16384x16xf32, #tpu.memory_space<hbm>> -> memref<512x16xf32, #tpu.memory_space<hbm>>
    tpu.enqueue_dma source(%arg20 : memref<512x16xf32, #tpu.memory_space<vmem>>) target(%dma_start3A_334 : memref<512x16xf32, #tpu.memory_space<hbm>>) target_semaphore(%arg22 : memref<!tpu.dma_semaphore, #tpu.memory_space<semaphore_mem>>)
    %dma_start3A_335 = arith.constant 0 : i32
    %dma_start3A_336 = tpu.memref_slice %arg10[%mul3A_2, %dma_start3A_335] : memref<16384x16xf32, #tpu.memory_space<hbm>> -> memref<512x16xf32, #tpu.memory_space<hbm>>
    %dma_start3A_337 = arith.constant 0 : i32
    %dma_start3A_338 = tpu.memref_slice %arg10[%mul3A_2, %dma_start3A_337] : memref<16384x16xf32, #tpu.memory_space<hbm>> -> memref<512x16xf32, #tpu.memory_space<hbm>>
    tpu.enqueue_dma source(%arg18 : memref<512x16xf32, #tpu.memory_space<vmem>>) target(%dma_start3A_338 : memref<512x16xf32, #tpu.memory_space<hbm>>) target_semaphore(%arg22 : memref<!tpu.dma_semaphore, #tpu.memory_space<semaphore_mem>>)
    %broadcast_in_dim3A = arith.constant 0.000000e+00 : f32
    %broadcast_in_dim3A_339 = vector.broadcast %broadcast_in_dim3A : f32 to vector<16xf32>
    %broadcast_in_dim3A_340 = arith.constant 0.000000e+00 : f32
    %broadcast_in_dim3A_341 = vector.broadcast %broadcast_in_dim3A_340 : f32 to vector<16xf32>
    %broadcast_in_dim3A_342 = arith.constant 0.000000e+00 : f32
    %broadcast_in_dim3A_343 = vector.broadcast %broadcast_in_dim3A_342 : f32 to vector<16xf32>
    %broadcast_in_dim3A_344 = arith.constant 0.000000e+00 : f32
    %broadcast_in_dim3A_345 = vector.broadcast %broadcast_in_dim3A_344 : f32 to vector<16xf32>
    %broadcast_in_dim3A_346 = arith.constant 0.000000e+00 : f32
    %broadcast_in_dim3A_347 = vector.broadcast %broadcast_in_dim3A_346 : f32 to vector<16xf32>
    %broadcast_in_dim3A_348 = arith.constant 0.000000e+00 : f32
    %broadcast_in_dim3A_349 = vector.broadcast %broadcast_in_dim3A_348 : f32 to vector<16xf32>
    %broadcast_in_dim3A_350 = arith.constant 0.000000e+00 : f32
    %broadcast_in_dim3A_351 = vector.broadcast %broadcast_in_dim3A_350 : f32 to vector<16xf32>
    %broadcast_in_dim3A_352 = arith.constant 0.000000e+00 : f32
    %broadcast_in_dim3A_353 = vector.broadcast %broadcast_in_dim3A_352 : f32 to vector<16xf32>
    %scan3A = arith.constant 0 : i32
    %scan3A_354 = arith.constant 64 : i32
    %scan3A_355 = arith.addi %scan3A, %scan3A_354 : i32
    %scan3A_356 = arith.constant 1 : i32
    %scan3A_357:8 = scf.for %scan3A_385 = %scan3A to %scan3A_355 step %scan3A_356 iter_args(%scan3A_386 = %broadcast_in_dim3A_339, %scan3A_387 = %broadcast_in_dim3A_341, %scan3A_388 = %broadcast_in_dim3A_343, %scan3A_389 = %broadcast_in_dim3A_345, %scan3A_390 = %broadcast_in_dim3A_347, %scan3A_391 = %broadcast_in_dim3A_349, %scan3A_392 = %broadcast_in_dim3A_351, %scan3A_393 = %broadcast_in_dim3A_353) -> (vector<16xf32>, vector<16xf32>, vector<16xf32>, vector<16xf32>, vector<16xf32>, vector<16xf32>, vector<16xf32>, vector<16xf32>)  : i32 {
      %mul3A_394 = arith.constant 8 : i32
      %mul3A_395 = arith.muli %scan3A_385, %mul3A_394 : i32
      %add3A_396 = arith.constant 0 : i32
      %add3A_397 = arith.addi %mul3A_395, %add3A_396 : i32
      %get3A = arith.index_cast %add3A_397 : i32 to index
      %get3A_398 = arith.constant 0 : index
      %get3A_399 = tpu.vector_load %arg18[%get3A, %get3A_398] {strides = array<i32>} : memref<512x16xf32, #tpu.memory_space<vmem>>, vector<1x16xf32>,
      %get3A_400 = vector.shape_cast %get3A_399 : vector<1x16xf32> to vector<16xf32>
      %add3A_401 = arith.addf %scan3A_386, %get3A_400 : vector<16xf32>
      %add3A_402 = arith.constant 1 : i32
      %add3A_403 = arith.addi %mul3A_395, %add3A_402 : i32
      %get3A_404 = arith.index_cast %add3A_403 : i32 to index
      %get3A_405 = arith.constant 0 : index
      %get3A_406 = tpu.vector_load %arg18[%get3A_404, %get3A_405] {strides = array<i32>} : memref<512x16xf32, #tpu.memory_space<vmem>>, vector<1x16xf32>,
      %get3A_407 = vector.shape_cast %get3A_406 : vector<1x16xf32> to vector<16xf32>
      %add3A_408 = arith.addf %scan3A_387, %get3A_407 : vector<16xf32>
      %add3A_409 = arith.constant 2 : i32
      %add3A_410 = arith.addi %mul3A_395, %add3A_409 : i32
      %get3A_411 = arith.index_cast %add3A_410 : i32 to index
      %get3A_412 = arith.constant 0 : index
      %get3A_413 = tpu.vector_load %arg18[%get3A_411, %get3A_412] {strides = array<i32>} : memref<512x16xf32, #tpu.memory_space<vmem>>, vector<1x16xf32>,
      %get3A_414 = vector.shape_cast %get3A_413 : vector<1x16xf32> to vector<16xf32>
      %add3A_415 = arith.addf %scan3A_388, %get3A_414 : vector<16xf32>
      %add3A_416 = arith.constant 3 : i32
      %add3A_417 = arith.addi %mul3A_395, %add3A_416 : i32
      %get3A_418 = arith.index_cast %add3A_417 : i32 to index
      %get3A_419 = arith.constant 0 : index
      %get3A_420 = tpu.vector_load %arg18[%get3A_418, %get3A_419] {strides = array<i32>} : memref<512x16xf32, #tpu.memory_space<vmem>>, vector<1x16xf32>,
      %get3A_421 = vector.shape_cast %get3A_420 : vector<1x16xf32> to vector<16xf32>
      %add3A_422 = arith.addf %scan3A_389, %get3A_421 : vector<16xf32>
      %add3A_423 = arith.constant 4 : i32
      %add3A_424 = arith.addi %mul3A_395, %add3A_423 : i32
      %get3A_425 = arith.index_cast %add3A_424 : i32 to index
      %get3A_426 = arith.constant 0 : index
      %get3A_427 = tpu.vector_load %arg18[%get3A_425, %get3A_426] {strides = array<i32>} : memref<512x16xf32, #tpu.memory_space<vmem>>, vector<1x16xf32>,
      %get3A_428 = vector.shape_cast %get3A_427 : vector<1x16xf32> to vector<16xf32>
      %add3A_429 = arith.addf %scan3A_390, %get3A_428 : vector<16xf32>
      %add3A_430 = arith.constant 5 : i32
      %add3A_431 = arith.addi %mul3A_395, %add3A_430 : i32
      %get3A_432 = arith.index_cast %add3A_431 : i32 to index
      %get3A_433 = arith.constant 0 : index
      %get3A_434 = tpu.vector_load %arg18[%get3A_432, %get3A_433] {strides = array<i32>} : memref<512x16xf32, #tpu.memory_space<vmem>>, vector<1x16xf32>,
      %get3A_435 = vector.shape_cast %get3A_434 : vector<1x16xf32> to vector<16xf32>
      %add3A_436 = arith.addf %scan3A_391, %get3A_435 : vector<16xf32>
      %add3A_437 = arith.constant 6 : i32
      %add3A_438 = arith.addi %mul3A_395, %add3A_437 : i32
      %get3A_439 = arith.index_cast %add3A_438 : i32 to index
      %get3A_440 = arith.constant 0 : index
      %get3A_441 = tpu.vector_load %arg18[%get3A_439, %get3A_440] {strides = array<i32>} : memref<512x16xf32, #tpu.memory_space<vmem>>, vector<1x16xf32>,
      %get3A_442 = vector.shape_cast %get3A_441 : vector<1x16xf32> to vector<16xf32>
      %add3A_443 = arith.addf %scan3A_392, %get3A_442 : vector<16xf32>
      %add3A_444 = arith.constant 7 : i32
      %add3A_445 = arith.addi %mul3A_395, %add3A_444 : i32
      %get3A_446 = arith.index_cast %add3A_445 : i32 to index
      %get3A_447 = arith.constant 0 : index
      %get3A_448 = tpu.vector_load %arg18[%get3A_446, %get3A_447] {strides = array<i32>} : memref<512x16xf32, #tpu.memory_space<vmem>>, vector<1x16xf32>,
      %get3A_449 = vector.shape_cast %get3A_448 : vector<1x16xf32> to vector<16xf32>
      %add3A_450 = arith.addf %scan3A_393, %get3A_449 : vector<16xf32>
      scf.yield %add3A_401, %add3A_408, %add3A_415, %add3A_422, %add3A_429, %add3A_436, %add3A_443, %add3A_450 : vector<16xf32>, vector<16xf32>, vector<16xf32>, vector<16xf32>, vector<16xf32>, vector<16xf32>, vector<16xf32>, vector<16xf32>
    }
    %scan3A_358 = arith.constant 64 : i32
    %add3A_359 = arith.addf %scan3A_357#0, %scan3A_357#1 : vector<16xf32>
    %add3A_360 = arith.addf %add3A_359, %scan3A_357#2 : vector<16xf32>
    %add3A_361 = arith.addf %add3A_360, %scan3A_357#3 : vector<16xf32>
    %add3A_362 = arith.addf %add3A_361, %scan3A_357#4 : vector<16xf32>
    %add3A_363 = arith.addf %add3A_362, %scan3A_357#5 : vector<16xf32>
    %add3A_364 = arith.addf %add3A_363, %scan3A_357#6 : vector<16xf32>
    %add3A_365 = arith.addf %add3A_364, %scan3A_357#7 : vector<16xf32>
    %swap3A = arith.constant 0 : index
    %swap3A_366 = tpu.vector_load %arg21[%swap3A] {strides = array<i32>} : memref<16xf32, #tpu.memory_space<vmem>>, vector<16xf32>,
    %swap3A_367 = vector.shape_cast %swap3A_366 : vector<16xf32> to vector<16xf32>
    %swap3A_368 = vector.shape_cast %add3A_365 : vector<16xf32> to vector<16xf32>
    tpu.vector_store %arg21[%swap3A], %swap3A_368 {strides = array<i32>} : memref<16xf32, #tpu.memory_space<vmem>>, vector<16xf32>,
    "tpu.region"() ({
      %run_scoped3A = tpu.sem_alloc : memref<!tpu.dma_semaphore, #tpu.memory_space<semaphore_mem>>
      %dma_start3A_385 = arith.constant 0 : i32
      %dma_start3A_386 = tpu.memref_slice %arg13[%add3A, %dma_start3A_385] : memref<32x16xf32, #tpu.memory_space<hbm>> -> memref<1x16xf32, #tpu.memory_space<hbm>>
      %dma_start3A_387 = tpu.memref_squeeze %dma_start3A_386 : memref<1x16xf32, #tpu.memory_space<hbm>> -> memref<16xf32, #tpu.memory_space<hbm>>
      %dma_start3A_388 = arith.constant 0 : i32
      %dma_start3A_389 = tpu.memref_slice %arg13[%add3A, %dma_start3A_388] : memref<32x16xf32, #tpu.memory_space<hbm>> -> memref<1x16xf32, #tpu.memory_space<hbm>>
      %dma_start3A_390 = tpu.memref_squeeze %dma_start3A_389 : memref<1x16xf32, #tpu.memory_space<hbm>> -> memref<16xf32, #tpu.memory_space<hbm>>
      tpu.enqueue_dma source(%arg21 : memref<16xf32, #tpu.memory_space<vmem>>) target(%dma_start3A_390 : memref<16xf32, #tpu.memory_space<hbm>>) target_semaphore(%run_scoped3A : memref<!tpu.dma_semaphore, #tpu.memory_space<semaphore_mem>>)
      %dma_wait3A_391 = arith.constant 0 : i32
      %dma_wait3A_392 = tpu.memref_slice %arg13[%add3A, %dma_wait3A_391] : memref<32x16xf32, #tpu.memory_space<hbm>> -> memref<1x16xf32, #tpu.memory_space<hbm>>
      %dma_wait3A_393 = tpu.memref_squeeze %dma_wait3A_392 : memref<1x16xf32, #tpu.memory_space<hbm>> -> memref<16xf32, #tpu.memory_space<hbm>>
      %dma_wait3A_394 = arith.constant 0 : i32
      %dma_wait3A_395 = tpu.memref_slice %arg13[%add3A, %dma_wait3A_394] : memref<32x16xf32, #tpu.memory_space<hbm>> -> memref<1x16xf32, #tpu.memory_space<hbm>>
      %dma_wait3A_396 = tpu.memref_squeeze %dma_wait3A_395 : memref<1x16xf32, #tpu.memory_space<hbm>> -> memref<16xf32, #tpu.memory_space<hbm>>
      tpu.wait_dma2 semaphore(%run_scoped3A : memref<!tpu.dma_semaphore, #tpu.memory_space<semaphore_mem>>) src(%arg21 : memref<16xf32, #tpu.memory_space<vmem>>) dst(%dma_wait3A_396 : memref<16xf32, #tpu.memory_space<hbm>>)
      tpu.yield
    }) : () -> ()
    %dma_wait3A_369 = arith.constant 0 : i32
    %dma_wait3A_370 = tpu.memref_slice %arg9[%mul3A_2, %dma_wait3A_369] : memref<16384x16xf32, #tpu.memory_space<hbm>> -> memref<512x16xf32, #tpu.memory_space<hbm>>
    %dma_wait3A_371 = arith.constant 0 : i32
    %dma_wait3A_372 = tpu.memref_slice %arg9[%mul3A_2, %dma_wait3A_371] : memref<16384x16xf32, #tpu.memory_space<hbm>> -> memref<512x16xf32, #tpu.memory_space<hbm>>
    tpu.wait_dma2 semaphore(%arg22 : memref<!tpu.dma_semaphore, #tpu.memory_space<semaphore_mem>>) src(%arg17 : memref<512x16xf32, #tpu.memory_space<vmem>>) dst(%dma_wait3A_372 : memref<512x16xf32, #tpu.memory_space<hbm>>)
    %dma_wait3A_373 = arith.constant 0 : i32
    %dma_wait3A_374 = tpu.memref_slice %arg11[%mul3A_2, %dma_wait3A_373] : memref<16384x16xf32, #tpu.memory_space<hbm>> -> memref<512x16xf32, #tpu.memory_space<hbm>>
    %dma_wait3A_375 = arith.constant 0 : i32
    %dma_wait3A_376 = tpu.memref_slice %arg11[%mul3A_2, %dma_wait3A_375] : memref<16384x16xf32, #tpu.memory_space<hbm>> -> memref<512x16xf32, #tpu.memory_space<hbm>>
    tpu.wait_dma2 semaphore(%arg22 : memref<!tpu.dma_semaphore, #tpu.memory_space<semaphore_mem>>) src(%arg19 : memref<512x16xf32, #tpu.memory_space<vmem>>) dst(%dma_wait3A_376 : memref<512x16xf32, #tpu.memory_space<hbm>>)
    %dma_wait3A_377 = arith.constant 0 : i32
    %dma_wait3A_378 = tpu.memref_slice %arg12[%mul3A_2, %dma_wait3A_377] : memref<16384x16xf32, #tpu.memory_space<hbm>> -> memref<512x16xf32, #tpu.memory_space<hbm>>
    %dma_wait3A_379 = arith.constant 0 : i32
    %dma_wait3A_380 = tpu.memref_slice %arg12[%mul3A_2, %dma_wait3A_379] : memref<16384x16xf32, #tpu.memory_space<hbm>> -> memref<512x16xf32, #tpu.memory_space<hbm>>
    tpu.wait_dma2 semaphore(%arg22 : memref<!tpu.dma_semaphore, #tpu.memory_space<semaphore_mem>>) src(%arg20 : memref<512x16xf32, #tpu.memory_space<vmem>>) dst(%dma_wait3A_380 : memref<512x16xf32, #tpu.memory_space<hbm>>)
    %dma_wait3A_381 = arith.constant 0 : i32
    %dma_wait3A_382 = tpu.memref_slice %arg10[%mul3A_2, %dma_wait3A_381] : memref<16384x16xf32, #tpu.memory_space<hbm>> -> memref<512x16xf32, #tpu.memory_space<hbm>>
    %dma_wait3A_383 = arith.constant 0 : i32
    %dma_wait3A_384 = tpu.memref_slice %arg10[%mul3A_2, %dma_wait3A_383] : memref<16384x16xf32, #tpu.memory_space<hbm>> -> memref<512x16xf32, #tpu.memory_space<hbm>>
    tpu.wait_dma2 semaphore(%arg22 : memref<!tpu.dma_semaphore, #tpu.memory_space<semaphore_mem>>) src(%arg18 : memref<512x16xf32, #tpu.memory_space<vmem>>) dst(%dma_wait3A_384 : memref<512x16xf32, #tpu.memory_space<hbm>>)
    return
  }
}

module attributes {stable_mosaic.version = 14 : i64} {
  func.func @_tc_dense_body(%arg0: i32, %arg1: memref<4x128xf32, #tpu.memory_space<vmem>>, %arg2: memref<256x128xf32, #tpu.memory_space<vmem>>, %arg3: memref<256x128xf32, #tpu.memory_space<vmem>>, %arg4: memref<256x128xf32, #tpu.memory_space<vmem>>, %arg5: memref<256x128xf32, #tpu.memory_space<vmem>>, %arg6: memref<128x128xf32, #tpu.memory_space<vmem>>, %arg7: memref<128x128xf32, #tpu.memory_space<vmem>>, %arg8: memref<128x128xf32, #tpu.memory_space<vmem>>, %arg9: memref<128x128xf32, #tpu.memory_space<vmem>>, %arg10: memref<1x128xf32, #tpu.memory_space<vmem>>, %arg11: memref<1x128xf32, #tpu.memory_space<vmem>>, %arg12: memref<1x128xf32, #tpu.memory_space<vmem>>, %arg13: memref<1x128xf32, #tpu.memory_space<vmem>>, %arg14: memref<1x128xf32, #tpu.memory_space<vmem>>, %arg15: memref<1x128xf32, #tpu.memory_space<vmem>>, %arg16: memref<1x128xf32, #tpu.memory_space<vmem>>, %arg17: memref<1x1xf32, #tpu.memory_space<vmem>>, %arg18: memref<256x8xf32, #tpu.memory_space<vmem>>) attributes {dimension_semantics = [#tpu.dimension_semantics<arbitrary>], iteration_bounds = array<i64: 8>, scalar_prefetch = 0 : i64, scratch_operands = 0 : i64, tpu.core_type = #tpu.core_type<tc>, window_params = [{pipeline_mode = #tpu.pipeline_mode<synchronous>, transform_indices = @transform_0, window_bounds = array<i64: 4, 128>}, {transform_indices = @transform_1, window_bounds = array<i64: 256, 128>}, {transform_indices = @transform_2, window_bounds = array<i64: 256, 128>}, {transform_indices = @transform_3, window_bounds = array<i64: 256, 128>}, {transform_indices = @transform_4, window_bounds = array<i64: 256, 128>}, {pipeline_mode = #tpu.pipeline_mode<synchronous>, transform_indices = @transform_5, window_bounds = array<i64: 128, 128>}, {pipeline_mode = #tpu.pipeline_mode<synchronous>, transform_indices = @transform_6, window_bounds = array<i64: 128, 128>}, {pipeline_mode = #tpu.pipeline_mode<synchronous>, transform_indices = @transform_7, window_bounds = array<i64: 128, 128>}, {pipeline_mode = #tpu.pipeline_mode<synchronous>, transform_indices = @transform_8, window_bounds = array<i64: 128, 128>}, {pipeline_mode = #tpu.pipeline_mode<synchronous>, transform_indices = @transform_9, window_bounds = array<i64: 1, 128>}, {pipeline_mode = #tpu.pipeline_mode<synchronous>, transform_indices = @transform_10, window_bounds = array<i64: 1, 128>}, {pipeline_mode = #tpu.pipeline_mode<synchronous>, transform_indices = @transform_11, window_bounds = array<i64: 1, 128>}, {pipeline_mode = #tpu.pipeline_mode<synchronous>, transform_indices = @transform_12, window_bounds = array<i64: 1, 128>}, {pipeline_mode = #tpu.pipeline_mode<synchronous>, transform_indices = @transform_13, window_bounds = array<i64: 1, 128>}, {pipeline_mode = #tpu.pipeline_mode<synchronous>, transform_indices = @transform_14, window_bounds = array<i64: 1, 128>}, {pipeline_mode = #tpu.pipeline_mode<synchronous>, transform_indices = @transform_15, window_bounds = array<i64: 1, 128>}, {pipeline_mode = #tpu.pipeline_mode<synchronous>, transform_indices = @transform_16, window_bounds = array<i64: 1, 1>}, {transform_indices = @transform_17, window_bounds = array<i64: 256, 8>}]} {
    %get3A = arith.constant 0 : index
    %get3A_0 = arith.constant 0 : index
    %get3A_1 = vector.load %arg1[%get3A, %get3A_0] : memref<4x128xf32, #tpu.memory_space<vmem>>, vector<4x128xf32>
    %reduce_sum3A = vector.shape_cast %get3A_1 : vector<4x128xf32> to vector<1x4x128xf32>
    %reduce_sum3A_2 = arith.constant dense<0.000000e+00> : vector<1xf32>
    %reduce_sum3A_3 = vector.multi_reduction <add>, %reduce_sum3A, %reduce_sum3A_2 [1, 2] : vector<1x4x128xf32> to vector<1xf32>
    %reduce_sum3A_4 = vector.shape_cast %reduce_sum3A_3 : vector<1xf32> to vector<1x1x1xf32>
    %reduce_sum3A_5 = vector.extract %reduce_sum3A_4[0, 0, 0] : f32 from vector<1x1x1xf32>
    %get3A_6 = arith.constant 0 : index
    %get3A_7 = arith.constant 0 : index
    %get3A_8 = vector.load %arg2[%get3A_6, %get3A_7] : memref<256x128xf32, #tpu.memory_space<vmem>>, vector<256x128xf32>
    %get3A_9 = arith.constant 0 : index
    %get3A_10 = arith.constant 0 : index
    %get3A_11 = vector.load %arg4[%get3A_9, %get3A_10] : memref<256x128xf32, #tpu.memory_space<vmem>>, vector<256x128xf32>
    %get3A_12 = arith.constant 0 : index
    %get3A_13 = arith.constant 0 : index
    %get3A_14 = vector.load %arg5[%get3A_12, %get3A_13] : memref<256x128xf32, #tpu.memory_space<vmem>>, vector<256x128xf32>
    %eq3A = arith.constant 0.000000e+00 : f32
    %eq3A_15 = arith.cmpf oeq, %reduce_sum3A_5, %eq3A : f32
    %get3A_16 = arith.constant 0 : index
    %get3A_17 = arith.constant 0 : index
    %get3A_18 = vector.load %arg3[%get3A_16, %get3A_17] : memref<256x128xf32, #tpu.memory_space<vmem>>, vector<256x128xf32>
    %select_n3A = arith.select %eq3A_15, %get3A_11, %get3A_18 : vector<256x128xf32>
    %get3A_19 = arith.constant 0 : index
    %get3A_20 = arith.constant 0 : index
    %get3A_21 = vector.load %arg6[%get3A_19, %get3A_20] : memref<128x128xf32, #tpu.memory_space<vmem>>, vector<128x128xf32>
    %dot_general3A = arith.constant dense<0.000000e+00> : vector<256x128xf32>
    %dot_general3A_22 = tpu.matmul %select_n3A, %get3A_21, %dot_general3A {dimension_numbers = #tpu.dot_dimension_numbers<[1], [0], [0], [1], [0, 0, 1, 1], [], []>, transpose_lhs_hint = false} : vector<256x128xf32>, vector<128x128xf32>, vector<256x128xf32> -> vector<256x128xf32>
    %get3A_23 = arith.constant 0 : index
    %get3A_24 = arith.constant 0 : index
    %get3A_25 = vector.load %arg10[%get3A_23, %get3A_24] : memref<1x128xf32, #tpu.memory_space<vmem>>, vector<1x128xf32>
    %add3A = vector.broadcast %get3A_25 : vector<1x128xf32> to vector<256x128xf32>
    %add3A_26 = arith.addf %dot_general3A_22, %add3A : vector<256x128xf32>
    %max3A = arith.constant 0.000000e+00 : f32
    %max3A_27 = vector.broadcast %max3A : f32 to vector<256x128xf32>
    %max3A_28 = arith.maximumf %add3A_26, %max3A_27 : vector<256x128xf32>
    %get3A_29 = arith.constant 0 : index
    %get3A_30 = arith.constant 0 : index
    %get3A_31 = vector.load %arg7[%get3A_29, %get3A_30] : memref<128x128xf32, #tpu.memory_space<vmem>>, vector<128x128xf32>
    %dot_general3A_32 = arith.constant dense<0.000000e+00> : vector<256x128xf32>
    %dot_general3A_33 = tpu.matmul %max3A_28, %get3A_31, %dot_general3A_32 {dimension_numbers = #tpu.dot_dimension_numbers<[1], [0], [0], [1], [0, 0, 1, 1], [], []>, transpose_lhs_hint = false} : vector<256x128xf32>, vector<128x128xf32>, vector<256x128xf32> -> vector<256x128xf32>
    %get3A_34 = arith.constant 0 : index
    %get3A_35 = arith.constant 0 : index
    %get3A_36 = vector.load %arg11[%get3A_34, %get3A_35] : memref<1x128xf32, #tpu.memory_space<vmem>>, vector<1x128xf32>
    %add3A_37 = vector.broadcast %get3A_36 : vector<1x128xf32> to vector<256x128xf32>
    %add3A_38 = arith.addf %dot_general3A_33, %add3A_37 : vector<256x128xf32>
    %get3A_39 = arith.constant 0 : index
    %get3A_40 = arith.constant 0 : index
    %get3A_41 = vector.load %arg8[%get3A_39, %get3A_40] : memref<128x128xf32, #tpu.memory_space<vmem>>, vector<128x128xf32>
    %dot_general3A_42 = arith.constant dense<0.000000e+00> : vector<256x128xf32>
    %dot_general3A_43 = tpu.matmul %get3A_14, %get3A_41, %dot_general3A_42 {dimension_numbers = #tpu.dot_dimension_numbers<[1], [0], [0], [1], [0, 0, 1, 1], [], []>, transpose_lhs_hint = false} : vector<256x128xf32>, vector<128x128xf32>, vector<256x128xf32> -> vector<256x128xf32>
    %get3A_44 = arith.constant 0 : index
    %get3A_45 = arith.constant 0 : index
    %get3A_46 = vector.load %arg12[%get3A_44, %get3A_45] : memref<1x128xf32, #tpu.memory_space<vmem>>, vector<1x128xf32>
    %add3A_47 = vector.broadcast %get3A_46 : vector<1x128xf32> to vector<256x128xf32>
    %add3A_48 = arith.addf %dot_general3A_43, %add3A_47 : vector<256x128xf32>
    %max3A_49 = arith.constant 0.000000e+00 : f32
    %max3A_50 = vector.broadcast %max3A_49 : f32 to vector<256x128xf32>
    %max3A_51 = arith.maximumf %add3A_48, %max3A_50 : vector<256x128xf32>
    %get3A_52 = arith.constant 0 : index
    %get3A_53 = arith.constant 0 : index
    %get3A_54 = vector.load %arg9[%get3A_52, %get3A_53] : memref<128x128xf32, #tpu.memory_space<vmem>>, vector<128x128xf32>
    %dot_general3A_55 = arith.constant dense<0.000000e+00> : vector<256x128xf32>
    %dot_general3A_56 = tpu.matmul %max3A_51, %get3A_54, %dot_general3A_55 {dimension_numbers = #tpu.dot_dimension_numbers<[1], [0], [0], [1], [0, 0, 1, 1], [], []>, transpose_lhs_hint = false} : vector<256x128xf32>, vector<128x128xf32>, vector<256x128xf32> -> vector<256x128xf32>
    %get3A_57 = arith.constant 0 : index
    %get3A_58 = arith.constant 0 : index
    %get3A_59 = vector.load %arg13[%get3A_57, %get3A_58] : memref<1x128xf32, #tpu.memory_space<vmem>>, vector<1x128xf32>
    %add3A_60 = vector.broadcast %get3A_59 : vector<1x128xf32> to vector<256x128xf32>
    %add3A_61 = arith.addf %dot_general3A_56, %add3A_60 : vector<256x128xf32>
    %mul3A = arith.mulf %add3A_61, %get3A_8 : vector<256x128xf32>
    %add3A_62 = arith.addf %mul3A, %add3A_38 : vector<256x128xf32>
    %get3A_63 = arith.constant 0 : index
    %get3A_64 = arith.constant 0 : index
    %get3A_65 = vector.load %arg14[%get3A_63, %get3A_64] : memref<1x128xf32, #tpu.memory_space<vmem>>, vector<1x128xf32>
    %mul3A_66 = vector.broadcast %get3A_65 : vector<1x128xf32> to vector<256x128xf32>
    %mul3A_67 = arith.mulf %add3A_62, %mul3A_66 : vector<256x128xf32>
    %get3A_68 = arith.constant 0 : index
    %get3A_69 = arith.constant 0 : index
    %get3A_70 = vector.load %arg15[%get3A_68, %get3A_69] : memref<1x128xf32, #tpu.memory_space<vmem>>, vector<1x128xf32>
    %mul3A_71 = vector.broadcast %get3A_70 : vector<1x128xf32> to vector<256x128xf32>
    %mul3A_72 = arith.mulf %get3A_11, %mul3A_71 : vector<256x128xf32>
    %add3A_73 = arith.addf %mul3A_67, %mul3A_72 : vector<256x128xf32>
    %get3A_74 = arith.constant 0 : index
    %get3A_75 = arith.constant 0 : index
    %get3A_76 = vector.load %arg16[%get3A_74, %get3A_75] : memref<1x128xf32, #tpu.memory_space<vmem>>, vector<1x128xf32>
    %mul3A_77 = vector.broadcast %get3A_76 : vector<1x128xf32> to vector<256x128xf32>
    %mul3A_78 = arith.mulf %get3A_14, %mul3A_77 : vector<256x128xf32>
    %add3A_79 = arith.addf %add3A_73, %mul3A_78 : vector<256x128xf32>
    %iota3A = tpu.iota {dimensions = array<i32: 0>} : vector<128x8xi32>
    %jit3A = arith.constant 16 : i32
    %div3A = vector.broadcast %jit3A : i32 to vector<128x8xi32>
    %div3A_80 = arith.divsi %iota3A, %div3A : vector<128x8xi32>
    %sign3A = arith.constant 0 : i32
    %sign3A_81 = vector.broadcast %sign3A : i32 to vector<128x8xi32>
    %sign3A_82 = arith.cmpi sgt, %iota3A, %sign3A_81 : vector<128x8xi32>
    %sign3A_83 = arith.extui %sign3A_82 : vector<128x8xi1> to vector<128x8xi32>
    %sign3A_84 = arith.constant 0 : i32
    %sign3A_85 = vector.broadcast %sign3A_84 : i32 to vector<128x8xi32>
    %sign3A_86 = arith.cmpi slt, %iota3A, %sign3A_85 : vector<128x8xi32>
    %sign3A_87 = arith.extui %sign3A_86 : vector<128x8xi1> to vector<128x8xi32>
    %sign3A_88 = arith.subi %sign3A_83, %sign3A_87 : vector<128x8xi32>
    %sign3A_89 = arith.constant 0 : i32
    %sign3A_90 = arith.cmpi sgt, %jit3A, %sign3A_89 : i32
    %sign3A_91 = arith.extui %sign3A_90 : i1 to i32
    %sign3A_92 = arith.constant 0 : i32
    %sign3A_93 = arith.cmpi slt, %jit3A, %sign3A_92 : i32
    %sign3A_94 = arith.extui %sign3A_93 : i1 to i32
    %sign3A_95 = arith.subi %sign3A_91, %sign3A_94 : i32
    %ne3A = vector.broadcast %sign3A_95 : i32 to vector<128x8xi32>
    %ne3A_96 = arith.cmpi ne, %sign3A_88, %ne3A : vector<128x8xi32>
    %rem3A = vector.broadcast %jit3A : i32 to vector<128x8xi32>
    %rem3A_97 = arith.remsi %iota3A, %rem3A : vector<128x8xi32>
    %ne3A_98 = arith.constant 0 : i32
    %ne3A_99 = vector.broadcast %ne3A_98 : i32 to vector<128x8xi32>
    %ne3A_100 = arith.cmpi ne, %rem3A_97, %ne3A_99 : vector<128x8xi32>
    %and3A = arith.andi %ne3A_96, %ne3A_100 : vector<128x8xi1>
    %sub3A = arith.constant 1 : i32
    %sub3A_101 = vector.broadcast %sub3A : i32 to vector<128x8xi32>
    %sub3A_102 = arith.subi %div3A_80, %sub3A_101 : vector<128x8xi32>
    %select_n3A_103 = arith.select %and3A, %sub3A_102, %div3A_80 : vector<128x8xi1>, vector<128x8xi32>
    %iota3A_104 = tpu.iota {dimensions = array<i32: 1>} : vector<128x8xi32>
    %eq3A_105 = arith.cmpi eq, %select_n3A_103, %iota3A_104 : vector<128x8xi32>
    %jit3A_106 = arith.constant 1.000000e+00 : f32
    %jit3A_107 = arith.constant 0.000000e+00 : f32
    %broadcast_in_dim3A = vector.broadcast %jit3A_106 : f32 to vector<128x8xf32>
    %broadcast_in_dim3A_108 = vector.broadcast %jit3A_107 : f32 to vector<128x8xf32>
    %select_n3A_109 = arith.select %eq3A_105, %broadcast_in_dim3A, %broadcast_in_dim3A_108 : vector<128x8xi1>, vector<128x8xf32>
    %dot_general3A_110 = arith.constant dense<0.000000e+00> : vector<256x8xf32>
    %dot_general3A_111 = tpu.matmul %add3A_79, %select_n3A_109, %dot_general3A_110 {dimension_numbers = #tpu.dot_dimension_numbers<[1], [0], [0], [1], [0, 0, 1, 1], [], []>, transpose_lhs_hint = false} : vector<256x128xf32>, vector<128x8xf32>, vector<256x8xf32> -> vector<256x8xf32>
    %get3A_112 = arith.constant 0 : index
    %get3A_113 = arith.constant 0 : index
    %get3A_114 = vector.load %arg17[%get3A_112, %get3A_113] : memref<1x1xf32, #tpu.memory_space<vmem>>, vector<1x1xf32>
    %get3A_115 = vector.extract %get3A_114[0, 0] : f32 from vector<1x1xf32>
    %add3A_116 = vector.broadcast %get3A_115 : f32 to vector<256x8xf32>
    %add3A_117 = arith.addf %dot_general3A_111, %add3A_116 : vector<256x8xf32>
    %neg3A = arith.constant 0.000000e+00 : f32
    %neg3A_118 = vector.broadcast %neg3A : f32 to vector<256x8xf32>
    %neg3A_119 = arith.subf %neg3A_118, %add3A_117 : vector<256x8xf32>
    %exp3A = math.exp %neg3A_119 : vector<256x8xf32>
    %add3A_120 = arith.constant 1.000000e+00 : f32
    %add3A_121 = vector.broadcast %add3A_120 : f32 to vector<256x8xf32>
    %add3A_122 = arith.addf %add3A_121, %exp3A : vector<256x8xf32>
    %div3A_123 = arith.constant 1.000000e+00 : f32
    %div3A_124 = vector.broadcast %div3A_123 : f32 to vector<256x8xf32>
    %div3A_125 = arith.divf %div3A_124, %add3A_122 : vector<256x8xf32>
    %swap3A = arith.constant 0 : index
    %swap3A_126 = arith.constant 0 : index
    %swap3A_127 = vector.load %arg18[%swap3A, %swap3A_126] : memref<256x8xf32, #tpu.memory_space<vmem>>, vector<256x8xf32>
    tpu.vector_store %arg18[%swap3A, %swap3A_126], %div3A_125 {strides = array<i32>} : memref<256x8xf32, #tpu.memory_space<vmem>>, vector<256x8xf32>,
    return
  }
  func.func @transform_0(%arg0: i32) -> (i32, i32) {
    %c0_i32 = arith.constant 0 : i32
    %c0_i32_0 = arith.constant 0 : i32
    %c0_i32_1 = arith.constant 0 : i32
    return %c0_i32, %c0_i32_0 : i32, i32
  }
  func.func @transform_1(%arg0: i32) -> (i32, i32) {
    %c0_i32 = arith.constant 0 : i32
    %c0_i32_0 = arith.constant 0 : i32
    return %arg0, %c0_i32 : i32, i32
  }
  func.func @transform_2(%arg0: i32) -> (i32, i32) {
    %c0_i32 = arith.constant 0 : i32
    %c0_i32_0 = arith.constant 0 : i32
    return %arg0, %c0_i32 : i32, i32
  }
  func.func @transform_3(%arg0: i32) -> (i32, i32) {
    %c0_i32 = arith.constant 0 : i32
    %c0_i32_0 = arith.constant 0 : i32
    return %arg0, %c0_i32 : i32, i32
  }
  func.func @transform_4(%arg0: i32) -> (i32, i32) {
    %c0_i32 = arith.constant 0 : i32
    %c0_i32_0 = arith.constant 0 : i32
    return %arg0, %c0_i32 : i32, i32
  }
  func.func @transform_5(%arg0: i32) -> (i32, i32) {
    %c0_i32 = arith.constant 0 : i32
    %c0_i32_0 = arith.constant 0 : i32
    %c0_i32_1 = arith.constant 0 : i32
    return %c0_i32, %c0_i32_0 : i32, i32
  }
  func.func @transform_6(%arg0: i32) -> (i32, i32) {
    %c0_i32 = arith.constant 0 : i32
    %c0_i32_0 = arith.constant 0 : i32
    %c0_i32_1 = arith.constant 0 : i32
    return %c0_i32, %c0_i32_0 : i32, i32
  }
  func.func @transform_7(%arg0: i32) -> (i32, i32) {
    %c0_i32 = arith.constant 0 : i32
    %c0_i32_0 = arith.constant 0 : i32
    %c0_i32_1 = arith.constant 0 : i32
    return %c0_i32, %c0_i32_0 : i32, i32
  }
  func.func @transform_8(%arg0: i32) -> (i32, i32) {
    %c0_i32 = arith.constant 0 : i32
    %c0_i32_0 = arith.constant 0 : i32
    %c0_i32_1 = arith.constant 0 : i32
    return %c0_i32, %c0_i32_0 : i32, i32
  }
  func.func @transform_9(%arg0: i32) -> (i32, i32) {
    %c0_i32 = arith.constant 0 : i32
    %c0_i32_0 = arith.constant 0 : i32
    %c0_i32_1 = arith.constant 0 : i32
    return %c0_i32, %c0_i32_0 : i32, i32
  }
  func.func @transform_10(%arg0: i32) -> (i32, i32) {
    %c0_i32 = arith.constant 0 : i32
    %c0_i32_0 = arith.constant 0 : i32
    %c0_i32_1 = arith.constant 0 : i32
    return %c0_i32, %c0_i32_0 : i32, i32
  }
  func.func @transform_11(%arg0: i32) -> (i32, i32) {
    %c0_i32 = arith.constant 0 : i32
    %c0_i32_0 = arith.constant 0 : i32
    %c0_i32_1 = arith.constant 0 : i32
    return %c0_i32, %c0_i32_0 : i32, i32
  }
  func.func @transform_12(%arg0: i32) -> (i32, i32) {
    %c0_i32 = arith.constant 0 : i32
    %c0_i32_0 = arith.constant 0 : i32
    %c0_i32_1 = arith.constant 0 : i32
    return %c0_i32, %c0_i32_0 : i32, i32
  }
  func.func @transform_13(%arg0: i32) -> (i32, i32) {
    %c0_i32 = arith.constant 0 : i32
    %c0_i32_0 = arith.constant 0 : i32
    %c0_i32_1 = arith.constant 0 : i32
    return %c0_i32, %c0_i32_0 : i32, i32
  }
  func.func @transform_14(%arg0: i32) -> (i32, i32) {
    %c0_i32 = arith.constant 0 : i32
    %c0_i32_0 = arith.constant 0 : i32
    %c0_i32_1 = arith.constant 0 : i32
    return %c0_i32, %c0_i32_0 : i32, i32
  }
  func.func @transform_15(%arg0: i32) -> (i32, i32) {
    %c0_i32 = arith.constant 0 : i32
    %c0_i32_0 = arith.constant 0 : i32
    %c0_i32_1 = arith.constant 0 : i32
    return %c0_i32, %c0_i32_0 : i32, i32
  }
  func.func @transform_16(%arg0: i32) -> (i32, i32) {
    %c0_i32 = arith.constant 0 : i32
    %c0_i32_0 = arith.constant 0 : i32
    %c0_i32_1 = arith.constant 0 : i32
    return %c0_i32, %c0_i32_0 : i32, i32
  }
  func.func @transform_17(%arg0: i32) -> (i32, i32) {
    %c0_i32 = arith.constant 0 : i32
    %c0_i32_0 = arith.constant 0 : i32
    return %arg0, %c0_i32 : i32, i32
  }
}

</mosaic_0001>

<sc_bundles>
// kernel: kernel.4.cloned.1.call-start
scs
__scs_entry_jumppad:
0x0: {  	(pc) =	sbr.rel $0x88, $3  }
0x1: {  	(tag) =	ssettag $0x0;
	lr =	simm.s32 $0x1  }
0x2: {  	[smem:$0x3F90] =	sst lr;
	_ =	strace $0xD0000000  }
0x3: {  	_ = 	snop  }
0x4: {  	_ = 	snop  }
0x5: {  	_ = 	snop  }
0x6: {  	_ = 	snop  }
0x7: {  	_ = 	snop  }
__scs_overlays_trampoline_lowered:
0x8: {  	[smem:$0x3F9F] =	sst s0  }
0x9: {  	[smem:$0x3FA0] =	sst s1  }
0xa: {  	[smem:$0x3FA1] =	sst s2  }
0xb: {  	[smem:$0x3FA2] =	sst s3  }
0xc: {  	[smem:$0x3FA3] =	sst s4  }
0xd: {  	[smem:$0x3FA4] =	sst s5  }
0xe: {  	[smem:$0x3FA5] =	sst s6  }
0xf: {  	[smem:$0x3FA6] =	sst s7  }
0x10: {  	[smem:$0x3FA7] =	sst s8  }
0x11: {  	[smem:$0x3FA8] =	sst s9;
	s0 =	simm.s32 @!p0 $0x0  }
0x12: {  	s1 =	sld [smem:$0x3F8E];
	s0 =	simm.s32 @p0 $0x1  }
0x13: {  	[smem:$0x3FA9] =	sst s0;
	s0 =	simm.s32 @!p1 $0x0  }
0x14: {  	s2 =	sld [smem:$0x3F8D];
	s0 =	simm.s32 @p1 $0x1  }
0x15: {  	[smem:$0x3FAA] =	sst s0;
	s0 =	simm.s32 @!p2 $0x0  }
0x16: {  	s3 =	sld [smem:$0x3FDB];
	s0 =	simm.s32 @p2 $0x1  }
0x17: {  	s4 =	simm.s32 $0x1BF5;
	[smem:$0x3FAC] =	sst s0  }
0x18: {  	s0 =	sld [smem:$0x3F8F];
	_ =	swait.ge [sflag:s4], $0x0  }
0x19: {  	s7 =	sld [smem:$0x3F90]  }
0x1a: {  	s8 =	sadd.s32 $0xFFFFE003, lr  }
0x1b: {  	s9 =	sadd.s32 $0xFFFFFEF7, lr;
	s5 =	simm.s32 $0xFFFFFFFF;
	p2 =	slt.u32 s8, $0xFFFFF086  }
0x1c: {  	p1 =	slt.u32 s9, $0xF7A;
	s5 =	simm.s32 @!p2 $0x0  }
0x1d: {  	s5 =	simm.s32 @p1 $0x1;
	p0 =	seq.s32 s7, s2  }
0x1e: {  	s7 =	smul.u32 @!p0 $0xF7A, s2;
	p2 =	seq.s32 @!p0 s5, $0x0  }
0x1f: {  	s9 =	smul.u32 $0xF7A, s1;
	s8 =	simm.s32 @!p0 $0x1BF5;
	p2 =	por !p2, p0  }
0x20: {  	[sflag:s8] =	ssyncset.s32 @!p0 $0xFFFFF086;
	s6 =	sadd.s32 @!p0 s3, s7;
	s7 =	simm.s32 @!p0 $0x108  }
0x21: {  	s3 =	sadd.s32 s3, s9;
	s6 =	sadd.s32 @!p0 $0x88, s6;
	s7 =	simm.s32 @p2 $0x1082  }
0x22: {  	[simem:s7], [sflag:s8] =	dma.local @!p0 [hbm:s6], $0xF7A  }
0x23: {  	s9 =	sor.u32 $0xD0000000, s2;
	s6 =	simm.s32 $0x108;
	_ =	swait.ge @!p0 [sflag:s8], $0x0  }
0x24: {  	s3 =	sadd.s32 $0x88, s3;
	s6 =	simm.s32 @!p1 $0x1082;
	[sflag:s4] =	ssyncset.s32 $0xFFFFF086  }
0x25: {  	[simem:s6], [sflag:s4] =	dma.local [hbm:s3], $0xF7A  }
0x26: {  	[smem:$0x3F90] =	sst s1;
	(tag) =	ssettag s2;
	_ =	strace s9  }
0x27: {  	s1 =	sld [smem:$0x3FA0]  }
0x28: {  	s2 =	sld [smem:$0x3FA1]  }
0x29: {  	s4 =	sld [smem:$0x3FA3]  }
0x2a: {  	p0 =	seq.s32 s5, $0x0;
	s5 =	sld [smem:$0x3FA4]  }
0x2b: {  	s6 =	sld [smem:$0x3FA5]  }
0x2c: {  	s7 =	sld [smem:$0x3FA6]  }
0x2d: {  	s3 =	simm.s32 $0x108;
	s8 =	sld [smem:$0x3FA7]  }
0x2e: {  	s3 =	simm.s32 @!p0 $0x1082;
	s9 =	sld [smem:$0x3FA8]  }
0x2f: {  	lr =	sadd.s32 s0, s3;
	s0 =	sld [smem:$0x3F9F]  }
0x30: {  	s3 =	sld [smem:$0x3FA2]  }
0x31: {  	[smem:$0x3FAB] =	sst s10  }
0x32: {  	s10 =	sld [smem:$0x3FA9];
	_ =	sdelay $0x3  }
0x33: {  	p0 =	seq.s32 s10, $0x1;
	s10 =	sld [smem:$0x3FAB];
	_ =	sdelay $0x3  }
0x34: {  	[smem:$0x3FAB] =	sst s10  }
0x35: {  	s10 =	sld [smem:$0x3FAA];
	_ =	sdelay $0x3  }
0x36: {  	p1 =	seq.s32 s10, $0x1;
	s10 =	sld [smem:$0x3FAB];
	_ =	sdelay $0x3  }
0x37: {  	[smem:$0x3FAB] =	sst s10  }
0x38: {  	s10 =	sld [smem:$0x3FAC]  }
0x39: {  	_ = 	snop;
	(pc) =	sbr.ind lr, $3  }
0x3a: {  	_ = 	snop  }
0x3b: {  	_ = 	snop  }
0x3c: {  	p2 =	seq.s32 s10, $0x1;
	s10 =	sld [smem:$0x3FAB]  }
0x3d: {  	_ =	shalt  }
0x3e: {  	_ =	shalt  }
0x3f: {  	_ =	shalt  }
0x40: {  	_ =	shalt  }
0x41: {  	_ =	shalt  }
0x42: {  	_ =	shalt  }
0x43: {  	_ =	shalt  }
0x44: {  	_ =	shalt  }
0x45: {  	_ =	shalt  }
0x46: {  	_ =	shalt  }
0x47: {  	_ =	shalt  }
0x48: {  	_ =	shalt  }
0x49: {  	_ =	shalt  }
0x4a: {  	_ =	shalt  }
0x4b: {  	_ =	shalt  }
0x4c: {  	_ =	shalt  }
0x4d: {  	_ =	shalt  }
0x4e: {  	_ =	shalt  }
0x4f: {  	_ =	shalt  }
0x50: {  	_ =	shalt  }
0x51: {  	_ =	shalt  }
0x52: {  	_ =	shalt  }
0x53: {  	_ =	shalt  }
0x54: {  	_ =	shalt  }
0x55: {  	_ =	shalt  }
0x56: {  	_ =	shalt  }
0x57: {  	_ =	shalt  }
0x58: {  	_ =	shalt  }
0x59: {  	_ =	shalt  }
0x5a: {  	_ =	shalt  }
0x5b: {  	_ =	shalt  }
0x5c: {  	_ =	shalt  }
0x5d: {  	_ =	shalt  }
0x5e: {  	_ =	shalt  }
0x5f: {  	_ =	shalt  }
0x60: {  	_ =	shalt  }
0x61: {  	_ =	shalt  }
0x62: {  	_ =	shalt  }
0x63: {  	_ =	shalt  }
0x64: {  	_ =	shalt  }
0x65: {  	_ =	shalt  }
0x66: {  	_ =	shalt  }
0x67: {  	_ =	shalt  }
0x68: {  	_ =	shalt  }
0x69: {  	_ =	shalt  }
0x6a: {  	_ =	shalt  }
0x6b: {  	_ =	shalt  }
0x6c: {  	_ =	shalt  }
0x6d: {  	_ =	shalt  }
0x6e: {  	_ =	shalt  }
0x6f: {  	_ =	shalt  }
0x70: {  	_ =	shalt  }
0x71: {  	_ =	shalt  }
0x72: {  	_ =	shalt  }
0x73: {  	_ =	shalt  }
0x74: {  	_ =	shalt  }
0x75: {  	_ =	shalt  }
0x76: {  	_ =	shalt  }
0x77: {  	_ =	shalt  }
0x78: {  	_ =	shalt  }
0x79: {  	_ =	shalt  }
0x7a: {  	_ =	shalt  }
0x7b: {  	_ =	shalt  }
0x7c: {  	_ =	shalt  }
0x7d: {  	_ =	shalt  }
0x7e: {  	_ =	shalt  }
0x7f: {  	_ =	shalt  }
0x80: {  	_ =	shalt  }
0x81: {  	_ =	shalt  }
0x82: {  	_ =	shalt  }
0x83: {  	_ =	shalt  }
0x84: {  	_ =	shalt  }
0x85: {  	_ =	shalt  }
0x86: {  	_ =	shalt  }
0x87: {  	_ =	shalt  }
.Lfunc_end0:
.L_simem_size_0:
called_computation_lowered:
.L_overlay_start_0:
0x88: {  	s2 =	sld [smem:$0x3FD9]  }
0x89: {  	s3 =	sld [smem:$0x3FFE];
	_ =	sdelay $0x1  }
0x8a: {  	s1 =	srdreg.scid  }
0x8b: {  	s0 =	sand.u32 $0x1, s1  }
0x8c: {  	s17 =	sshll.u32 s0, $0xA;
	s2 =	sadd.s32 s3, s2  }
0x8d: {  	s2 =	sadd.s32 s2, s17  }
0x8e: {  	[smem:$0x3FB7] =	sst s2  }
0x8f: {  	_ = 	snop  }
0x90: {  	s2 =	sld [smem:$0x3FC9]  }
0x91: {  	s18 =	sld [smem:$0x3FC8]  }
0x92: {  	s4 =	sld [smem:$0x3FC7]  }
0x93: {  	s5 =	sld [smem:$0x3FD0];
	(tm) =	ssettm $0x1  }
0x94: {  	s6 =	sld [smem:$0x3FFB];
	_ =	sdelay $0x3  }
0x95: {  	_ =	strace s6  }
0x96: {  	s6 =	sld [smem:$0x3FFC];
	_ =	sdelay $0x3  }
0x97: {  	_ =	strace s6  }
0x98: {  	s6 =	sld [smem:$0x3FFD];
	_ =	sdelay $0x3  }
0x99: {  	_ =	strace s6  }
0x9a: {  	_ =	strace $0x8FFFFFFF  }
0x9b: {  	s19 =	sld [smem:$0x3FDB];
	_ =	sdelay $0x1  }
0x9c: {  	s7 =	simm.s32 $_scs_section_size  }
0x9d: {  	s8 =	simm.s32 $_size__tile_overlayer_lowered;
	s9 =	simm.s32 $_tile_overlayer_lowered  }
0x9e: {  	s22 =	simm.s32 $0x1BFF;
	s21 =	sshll.u32 s9, $0x1;
	s6 =	sadd.s32 s7, s19  }
0x9f: {  	s10 =	simm.s32 $0x0;
	s20 =	sshll.u32 s8, $0x1;
	s8 =	sadd.s32 s21, s6  }
0xa0: {  	[timem:s10], [sflag:s22] =	dma.local [hbm:s8], s20  }
0xa1: {  	_ =	swait.ge [sflag:s22], s20  }
0xa2: {  	s7 =	ssub.s32 $0x0, s20;
	[sflag:s22] =	ssyncset.done $0x0  }
0xa3: {  	[sflag:s22] =	ssyncadd.s32 s7;
	_ =	sdelay $0x1  }
0xa4: {  	s23 =	simm.s32 $0x1B8B  }
0xa5: {  	_ =	swait.ge [sflag:s23], $0x1  }
0xa6: {  	[sflag:s23] =	ssyncset.done $0x0  }
0xa7: {  	s25 =	simm.s32 $0x1B8E;
	s24 =	sld [smem:$0x3FFE];
	[sflag:s23] =	ssyncadd.s32 $0xFFFFFFFF  }
0xa8: {  	s26 =	simm.s32 $execute0_lowered;
	[smem:$0x3FD2] =	sst s25  }
0xa9: {  	s8 =	sshll.u32 s26, $0x1;
	_ =	strace $0x80000046;
	[dreg:$0x1] =	wrdreg $0xFFFFFFFF  }
0xaa: {  	s28 =	simm.s32 $_size_execute0_lowered;
	s6 =	sadd.s32 s6, s8;
	[dreg:$0x0] =	wrdreg $0x0  }
0xab: {  	s8 =	sshll.u32 s28, $0x1;
	[dreg:$0x2] =	wrdreg s6  }
0xac: {  	[dreg:$0x3] =	wrdreg s8  }
0xad: {  	[dreg:$0x4] =	wrdreg $0xC0  }
0xae: {  	_ =	task [dreg:s10], $0x5FFFF  }
0xaf: {  	[dreg:$0x1] =	wrdreg $0xFFFFFFFF  }
0xb0: {  	[dreg:$0x0] =	wrdreg $0x60  }
0xb1: {  	[dreg:$0x2] =	wrdreg s2  }
0xb2: {  	[dreg:$0x3] =	wrdreg s18  }
0xb3: {  	[dreg:$0x4] =	wrdreg s4  }
0xb4: {  	[dreg:$0x5] =	wrdreg s24  }
0xb5: {  	[dreg:$0x6] =	wrdreg s5  }
0xb6: {  	[dreg:$0x7] =	wrdreg $0x9  }
0xb7: {  	_ =	task.clear_ibuf [dreg:s10], $0x8FFFF;
	_ =	strace $0x90000046  }
0xb8: {  	s29 =	simm.s32 $0x9;
	_ =	strace $0x80000048  }
0xb9: {  	_ =	swait.ge [sflag:s29], $0x1  }
0xba: {  	[sflag:s29] =	ssyncadd.s32 $0xFFFFFFFF  }
0xbb: {  	_ =	strace $0x90000048  }
0xbc: {  	_ =	sfence  }
0xbd: {  	s30 =	sld [smem:$0x0];
	_ =	sdelay $0x2  }
0xbe: {  	s31 =	sshll.u32 s1, $0xD;
	s1 =	sshrl.u32 s1, $0x2  }
0xbf: {  	s3 =	sand.u32 $0x4000, s31;
	s1 =	sadd.s32 s1, s30  }
0xc0: {  	s0 =	sor.u32 s3, s0;
	s1 =	sshll.u32 s1, $0x11  }
0xc1: {  	s0 =	sor.u32 s1, s0  }
0xc2: {  	s0 =	sadd.s32 $0x8F2B, s0  }
0xc3: {  	[sflag:s0] =	ssyncadd.remote.s32 $0x1  }
0xc4: {  	_ =	sfence.sel $0xFFFF  }
0xc5: {  	[dreg:$0x0] =	wrdreg $0xFFFFFFFF;
	(pc) =	sbr.abs _section_cstart, $3  }
0xc6: {  	[dreg:$0x1] =	wrdreg $0xFFFFFFFF  }
0xc7: {  	_ =	task.clear_ibuf [dreg:s10], $0x2FFFF;
	_ =	strace $0x9FFFFFFF  }
0xc8: {  	(tm) =	ssettm $0x7FFFFFFF  }
0xc9: {  	_ =	shalt  }
tec
execute0_lowered:
.L_overlay_start_1:
0x0: {  	(tag) =	ssettag $0x1  }
0x1: {  	s0 =	rddreg [dreg:$0x0]  }
0x2: {  	s1 =	rddreg [dreg:$0x1]  }
0x3: {  	s9 =	rddreg [dreg:$0x2]  }
0x4: {  	s7 =	rddreg [dreg:$0x3]  }
0x5: {  	s14 =	rddreg [dreg:$0x4];
	s2 =	simm.s32 $0x0  }
0x6: {  	s4 =	srdreg.scid;
	s5 =	stileid.u32;
	s17 =	simm.s32 $0x200  }
0x7: {  	s18 =	simm.s32 $0x400;
	s19 =	simm.s32 $0x80;
	s20 =	simm.s32 $0x600  }
0x8: {  	s21 =	simm.s32 $0x2600;
	s22 =	simm.s32 $0x4600;
	s23 =	simm.s32 $0x6600  }
0x9: {  	s31 =	simm.s32 $0x100;
	s29 =	simm.s32 $0x180;
	s28 =	simm.s32 $0x1  }
0xa: {  	s30 =	simm.s32 $0x8600;
	[smem:$0x7FF] =	sst s2;
	s3 =	sadd.s32 $0x1315600, s7  }
0xb: {  	s8 =	sand.u32 $0x1, s4;
	s6 =	sshll.u32 s5, $0x1;
	s4 =	sadd.s32 $0x112D000, s7  }
0xc: {  	s5 =	sadd.s32 $0xF44A00, s7;
	_ =	strace $0x80000047;
	s15 =	sor.u32 s8, s6  }
0xd: {  	s6 =	sadd.s32 $0x189000, s7;
	s8 =	ssub.s32 $0x2, s8;
	s10 =	sshll.u32 s15, $0xA  }
0xe: {  	s24 =	sshrl.u32 s8, $0x1;
	s25 =	sshll.u32 s15, $0x6;
	s26 =	sshll.u32 s15, $0x1  }
0xf: {  	s13 =	sadd.s32 s10, s7;
	s16 =	ssub.s32 s8, s24;
	s7 =	sadd.s32 s0, s25  }
0x10: {  	s8 =	sadd.s32 s1, s25;
	s9 =	sadd.s32 s9, s25;
	s14 =	sadd.s32 s14, s26  }
0x11: {  	s25 =	simm.s32 $0x580;
	s26 =	simm.s32 $0x7E00;
	s0 =	simm.s32 $0x0  }
0x12: {  	s10 =	sadd.s32 $0x2600, s13;
	s11 =	sadd.s32 $0x12600, s13;
	s12 =	sadd.s32 $0x1A600, s13  }
0x13: {  	s13 =	sadd.s32 $0xA600, s13;
	s15 =	smax.u32 s16, $0x1;
	s16 =	simm.s32 $0x2  }
.LBB2_1:
0x14: {  	[tilespmem:s2], [sflag:$0x2] =	stream.linear.gather [hbm4b:s7+s2], $0x200, $0x38;
	[tilespmem:$0x8610] =	vst v63  }
0x15: {  	_ =	swait.ge [sflag:s16], $0x200  }
0x16: {  	[sflag:s16] =	ssyncset.done $0x0  }
0x17: {  	[sflag:s16] =	ssyncadd.s32 $0xFFFFFE00  }
0x18: {  	[tilespmem:s17], [sflag:$0x2] =	stream.linear.gather [hbm4b:s8+s2], $0x200, $0x38;
	[tilespmem:$0x8610] =	vst v63  }
0x19: {  	_ =	swait.ge [sflag:s16], $0x200  }
0x1a: {  	[sflag:s16] =	ssyncset.done $0x0  }
0x1b: {  	[sflag:s16] =	ssyncadd.s32 $0xFFFFFE00  }
0x1c: {  	[tilespmem:s18], [sflag:$0x2] =	stream.linear.gather [hbm4b:s9+s2], $0x200, $0x38;
	[tilespmem:$0x8610] =	vst v63  }
0x1d: {  	_ =	swait.ge [sflag:s16], $0x200  }
0x1e: {  	[sflag:s16] =	ssyncset.done $0x0  }
0x1f: {  	[sflag:s16] =	ssyncadd.s32 $0xFFFFFE00  }
0x20: {  	[tilespmem:s20], [sflag:$0x1] =	stream.indirect.gather [hbm4b:s3+s19], $0x10, s2, s19, $0xb8;
	[tilespmem:$0x8610] =	vst v63  }
0x21: {  	_ = 	snop  }
0x22: {  	[tilespmem:s21], [sflag:$0x1] =	stream.indirect.gather [hbm4b:s4+s19], $0x10, s2, s19, $0xb8;
	[tilespmem:$0x8610] =	vst v63  }
0x23: {  	_ = 	snop  }
0x24: {  	[tilespmem:s22], [sflag:$0x1] =	stream.indirect.gather [hbm4b:s5+s19], $0x10, s17, s19, $0xb8;
	[tilespmem:$0x8610] =	vst v63  }
0x25: {  	_ = 	snop  }
0x26: {  	[tilespmem:s23], [sflag:$0x1] =	stream.indirect.gather [hbm4b:s6+s19], $0x10, s18, s19, $0xb8;
	[tilespmem:$0x8610] =	vst v63  }
0x27: {  	s1 =	simm.s32 $0xE00  }
0x28: {  	[tilespmem:s1], [sflag:$0x1] =	stream.indirect.gather [hbm4b:s3+s19], $0x10, s19, s19, $0xb8;
	[tilespmem:$0x8610] =	vst v63  }
0x29: {  	s24 =	simm.s32 $0x2E00  }
0x2a: {  	[tilespmem:s24], [sflag:$0x1] =	stream.indirect.gather [hbm4b:s4+s19], $0x10, s19, s19, $0xb8;
	[tilespmem:$0x8610] =	vst v63  }
0x2b: {  	s1 =	simm.s32 $0x280;
	s24 =	simm.s32 $0x4E00  }
0x2c: {  	[tilespmem:s24], [sflag:$0x1] =	stream.indirect.gather [hbm4b:s5+s19], $0x10, s1, s19, $0xb8;
	[tilespmem:$0x8610] =	vst v63  }
0x2d: {  	s1 =	simm.s32 $0x480;
	s24 =	simm.s32 $0x6E00  }
0x2e: {  	[tilespmem:s24], [sflag:$0x1] =	stream.indirect.gather [hbm4b:s6+s19], $0x10, s1, s19, $0xb8;
	[tilespmem:$0x8610] =	vst v63  }
0x2f: {  	s24 =	simm.s32 $0x1600  }
0x30: {  	[tilespmem:s24], [sflag:$0x1] =	stream.indirect.gather [hbm4b:s3+s19], $0x10, s31, s19, $0xb8;
	[tilespmem:$0x8610] =	vst v63  }
0x31: {  	s24 =	simm.s32 $0x3600  }
0x32: {  	[tilespmem:s24], [sflag:$0x1] =	stream.indirect.gather [hbm4b:s4+s19], $0x10, s31, s19, $0xb8;
	[tilespmem:$0x8610] =	vst v63  }
0x33: {  	s1 =	simm.s32 $0x300;
	s24 =	simm.s32 $0x5600  }
0x34: {  	[tilespmem:s24], [sflag:$0x1] =	stream.indirect.gather [hbm4b:s5+s19], $0x10, s1, s19, $0xb8;
	[tilespmem:$0x8610] =	vst v63  }
0x35: {  	s1 =	simm.s32 $0x500;
	s24 =	simm.s32 $0x7600  }
0x36: {  	[tilespmem:s24], [sflag:$0x1] =	stream.indirect.gather [hbm4b:s6+s19], $0x10, s1, s19, $0xb8;
	[tilespmem:$0x8610] =	vst v63  }
0x37: {  	s24 =	simm.s32 $0x1E00  }
0x38: {  	[tilespmem:s24], [sflag:$0x1] =	stream.indirect.gather [hbm4b:s3+s19], $0x10, s29, s19, $0xb8;
	[tilespmem:$0x8610] =	vst v63  }
0x39: {  	s24 =	simm.s32 $0x3E00  }
0x3a: {  	[tilespmem:s24], [sflag:$0x1] =	stream.indirect.gather [hbm4b:s4+s19], $0x10, s29, s19, $0xb8;
	[tilespmem:$0x8610] =	vst v63  }
0x3b: {  	s1 =	simm.s32 $0x380;
	s24 =	simm.s32 $0x5E00  }
0x3c: {  	[tilespmem:s24], [sflag:$0x1] =	stream.indirect.gather [hbm4b:s5+s19], $0x10, s1, s19, $0xb8;
	[tilespmem:$0x8610] =	vst v63  }
0x3d: {  	_ = 	snop  }
0x3e: {  	[tilespmem:s26], [sflag:$0x1] =	stream.indirect.gather [hbm4b:s6+s19], $0x10, s25, s19, $0xb8;
	[tilespmem:$0x8610] =	vst v63  }
0x3f: {  	_ =	swait.ge [sflag:s28], $0x800  }
0x40: {  	[sflag:s28] =	ssyncset.done $0x0  }
0x41: {  	[sflag:s28] =	ssyncadd.s32 $0xFFFFF800  }
0x42: {  	_ =	swait.ge [sflag:s28], $0x800  }
0x43: {  	[sflag:s28] =	ssyncset.done $0x0  }
0x44: {  	[sflag:s28] =	ssyncadd.s32 $0xFFFFF800  }
0x45: {  	_ =	swait.ge [sflag:s28], $0x800  }
0x46: {  	[sflag:s28] =	ssyncset.done $0x0  }
0x47: {  	[sflag:s28] =	ssyncadd.s32 $0xFFFFF800  }
0x48: {  	_ =	swait.ge [sflag:s28], $0x800  }
0x49: {  	[sflag:s28] =	ssyncset.done $0x0  }
0x4a: {  	[sflag:s28] =	ssyncadd.s32 $0xFFFFF800  }
0x4b: {  	_ =	swait.ge [sflag:s28], $0x800  }
0x4c: {  	[sflag:s28] =	ssyncset.done $0x0  }
0x4d: {  	[sflag:s28] =	ssyncadd.s32 $0xFFFFF800  }
0x4e: {  	_ =	swait.ge [sflag:s28], $0x800  }
0x4f: {  	[sflag:s28] =	ssyncset.done $0x0  }
0x50: {  	[sflag:s28] =	ssyncadd.s32 $0xFFFFF800  }
0x51: {  	_ =	swait.ge [sflag:s28], $0x800  }
0x52: {  	[sflag:s28] =	ssyncset.done $0x0  }
0x53: {  	[sflag:s28] =	ssyncadd.s32 $0xFFFFF800  }
0x54: {  	_ =	swait.ge [sflag:s28], $0x800  }
0x55: {  	[sflag:s28] =	ssyncset.done $0x0  }
0x56: {  	[sflag:s28] =	ssyncadd.s32 $0xFFFFF800  }
0x57: {  	_ =	swait.ge [sflag:s28], $0x800  }
0x58: {  	[sflag:s28] =	ssyncset.done $0x0  }
0x59: {  	[sflag:s28] =	ssyncadd.s32 $0xFFFFF800  }
0x5a: {  	_ =	swait.ge [sflag:s28], $0x800  }
0x5b: {  	[sflag:s28] =	ssyncset.done $0x0  }
0x5c: {  	[sflag:s28] =	ssyncadd.s32 $0xFFFFF800  }
0x5d: {  	_ =	swait.ge [sflag:s28], $0x800  }
0x5e: {  	[sflag:s28] =	ssyncset.done $0x0  }
0x5f: {  	[sflag:s28] =	ssyncadd.s32 $0xFFFFF800  }
0x60: {  	_ =	swait.ge [sflag:s28], $0x800  }
0x61: {  	[sflag:s28] =	ssyncset.done $0x0  }
0x62: {  	[sflag:s28] =	ssyncadd.s32 $0xFFFFF800  }
0x63: {  	_ =	swait.ge [sflag:s28], $0x800  }
0x64: {  	[sflag:s28] =	ssyncset.done $0x0  }
0x65: {  	[sflag:s28] =	ssyncadd.s32 $0xFFFFF800  }
0x66: {  	_ =	swait.ge [sflag:s28], $0x800  }
0x67: {  	[sflag:s28] =	ssyncset.done $0x0  }
0x68: {  	[sflag:s28] =	ssyncadd.s32 $0xFFFFF800  }
0x69: {  	_ =	swait.ge [sflag:s28], $0x800  }
0x6a: {  	[sflag:s28] =	ssyncset.done $0x0  }
0x6b: {  	[sflag:s28] =	ssyncadd.s32 $0xFFFFF800  }
0x6c: {  	_ =	swait.ge [sflag:s28], $0x800  }
0x6d: {  	[sflag:s28] =	ssyncset.done $0x0  }
0x6e: {  	[sflag:s28] =	ssyncadd.s32 $0xFFFFF800  }
0x6f: {  	[hbm4b:s10+s2] =	stream.linear.scatter [tilespmem:s20], [sflag:$0x1], $0x2000, $0x38;
	[tilespmem:$0x8610] =	vst v63  }
0x70: {  	_ = 	snop  }
0x71: {  	[hbm4b:s11+s2] =	stream.linear.scatter [tilespmem:s22], [sflag:$0x1], $0x2000, $0x38;
	[tilespmem:$0x8610] =	vst v63  }
0x72: {  	_ = 	snop  }
0x73: {  	[hbm4b:s12+s2] =	stream.linear.scatter [tilespmem:s23], [sflag:$0x1], $0x2000, $0x38;
	[tilespmem:$0x8610] =	vst v63  }
0x74: {  	s24 =	simm.s32 $0x0  }
0x75: {  	[hbm4b:s13+s2] =	stream.linear.scatter [tilespmem:s21], [sflag:$0x1], $0x2000, $0x38;
	[tilespmem:$0x8610] =	vst v63  }
0x76: {  	v0 =	vld [tilespmem:s24+$0x2670]  }
0x77: {  	v1 =	vld [tilespmem:s24+$0x2600]  }
0x78: {  	v3 =	vld [tilespmem:s24+$0x2610]  }
0x79: {  	v12 =	vld [tilespmem:s24+$0x2620]  }
0x7a: {  	v11 =	vld [tilespmem:s24+$0x2630]  }
0x7b: {  	v2 =	vimm.f32 $0.0e+00;
	v8 =	vimm.f32 $0.0e+00;
	v5 =	vld [tilespmem:s24+$0x2640]  }
0x7c: {  	v9 =	vimm.f32 $0.0e+00;
	v6 =	vld [tilespmem:s24+$0x2650];
	v0 =	vadd.f32 v0, v2;
	v7 =	vadd.f32 v1, v2  }
0x7d: {  	s1 =	simm.s32 $0x80;
	v4 =	vld [tilespmem:s24+$0x2660];
	s24 =	simm.s32 $0x400;
	v10 =	vadd.f32 v3, v2;
	v3 =	vimm.f32 $0.0e+00;
	v1 =	vimm.f32 $0.0e+00  }
.LBB2_2:
0x7e: {  	p0 =	sne.s32 s24, $0x7E00;
	v13 =	vld [tilespmem:s1+$0x2670];
	v2 =	vadd.f32 v12, v2  }
0x7f: {  	v14 =	vld [tilespmem:s1+$0x2600];
	v8 =	vadd.f32 v11, v8  }
0x80: {  	v15 =	vld [tilespmem:s1+$0x2610];
	v9 =	vadd.f32 v5, v9  }
.Ltmp0:
0x81: {  	v12 =	vld [tilespmem:s1+$0x2620];
	v3 =	vadd.f32 v6, v3;
	(pc) =	sbr.rel @p0 .LBB2_2-.Ltmp0, $4  }
0x82: {  	v11 =	vld [tilespmem:s1+$0x2630];
	v1 =	vadd.f32 v4, v1  }
0x83: {  	v5 =	vld [tilespmem:s1+$0x2640];
	v0 =	vadd.f32 v13, v0  }
0x84: {  	v7 =	vadd.f32 v14, v7;
	v6 =	vld [tilespmem:s1+$0x2650]  }
0x85: {  	v10 =	vadd.f32 v15, v10;
	v4 =	vld [tilespmem:s1+$0x2660];
	s1 =	sshra.s32 s24, $0x2;
	s24 =	sadd.s32 $0x200, s24  }
0x86: {  	v13 =	vld [tilespmem:s1+$0x2600]  }
0x87: {  	v14 =	vld [tilespmem:s1+$0x2610];
	_ =	sdelay $0x1  }
0x88: {  	v15 =	vld [tilespmem:s1+$0x2620];
	_ =	sdelay $0x1  }
0x89: {  	v2 =	vadd.f32 v12, v2;
	v59 =	vld [tilespmem:s1+$0x2630]  }
0x8a: {  	v7 =	vadd.f32 v13, v7;
	v10 =	vadd.f32 v14, v10  }
0x8b: {  	v60 =	vld [tilespmem:s1+$0x2640];
	v8 =	vadd.f32 v11, v8  }
0x8c: {  	v2 =	vadd.f32 v15, v2;
	v7 =	vadd.f32 v10, v7  }
0x8d: {  	v61 =	vld [tilespmem:s1+$0x2650];
	v5 =	vadd.f32 v5, v9  }
0x8e: {  	v8 =	vadd.f32 v59, v8;
	v2 =	vadd.f32 v2, v7  }
0x8f: {  	v62 =	vld [tilespmem:s1+$0x2660];
	v3 =	vadd.f32 v6, v3  }
0x90: {  	v5 =	vadd.f32 v60, v5;
	v2 =	vadd.f32 v8, v2  }
0x91: {  	v63 =	vld [tilespmem:s1+$0x2670];
	v1 =	vadd.f32 v4, v1  }
0x92: {  	v3 =	vadd.f32 v61, v3;
	v2 =	vadd.f32 v5, v2;
	_ =	sdelay $0x1  }
0x93: {  	v1 =	vadd.f32 v62, v1;
	v2 =	vadd.f32 v3, v2;
	_ =	sdelay $0x1  }
0x94: {  	v0 =	vadd.f32 v63, v0;
	v1 =	vadd.f32 v1, v2;
	_ =	sdelay $0x1  }
0x95: {  	v0 =	vadd.f32 v0, v1;
	_ =	sdelay $0x1  }
0x96: {  	[tilespmem:$0x8600] =	vst v0  }
0x97: {  	[hbm4b:s14+s2] =	stream.linear.scatter [tilespmem:s30], [sflag:$0x2], $0x10, $0x38;
	[tilespmem:$0x8610] =	vst v63  }
0x98: {  	_ =	swait.ge [sflag:s16], $0x10  }
0x99: {  	[sflag:s16] =	ssyncset.done $0x0  }
0x9a: {  	[sflag:s16] =	ssyncadd.s32 $0xFFFFFFF0  }
0x9b: {  	_ =	swait.ge [sflag:s28], $0x2000  }
0x9c: {  	[sflag:s28] =	ssyncset.done $0x0  }
0x9d: {  	[sflag:s28] =	ssyncadd.s32 $0xFFFFE000  }
0x9e: {  	_ =	swait.ge [sflag:s28], $0x2000  }
0x9f: {  	[sflag:s28] =	ssyncset.done $0x0  }
0xa0: {  	s0 =	sadd.s32 $0x1, s0;
	[sflag:s28] =	ssyncadd.s32 $0xFFFFE000  }
0xa1: {  	p0 =	sne.s32 s0, s15;
	_ =	swait.ge [sflag:s28], $0x2000  }
.Ltmp1:
0xa2: {  	[sflag:s28] =	ssyncset.done $0x0;
	(pc) =	sbr.rel @p0 .LBB2_1-.Ltmp1, $4  }
0xa3: {  	[sflag:s28] =	ssyncadd.s32 $0xFFFFE000  }
0xa4: {  	_ =	swait.ge [sflag:s28], $0x2000  }
0xa5: {  	[sflag:s28] =	ssyncset.done $0x0  }
0xa6: {  	[sflag:s28] =	ssyncadd.s32 $0xFFFFE000  }
0xa7: {  	_ =	sfence.sel $0x180000  }
0xa8: {  	[bflag:$0x0] =	sbarrier.arrive $0xFFFF  }
0xa9: {  	_ =	strace $0x90000047  }
0xaa: {  	s0 =	stileid.u32;
	[bflag:$0x2] =	sbarrier.arrive $0xFFFF  }
0xab: {  	p0 =	sne.s32 s0, $0x0;
	s0 =	rddreg [dreg:$0x5]  }
0xac: {  	s0 =	sadd.s32 @!p0 $0x100000, s0  }
0xad: {  	[sflag:s0] =	ssyncadd.tile.s32 @!p0 $0x1;
	_ =	shalt  }
.Lfunc_end2:
_tile_overlayer_lowered:
.L_overlay_start_2:
0xae: {  	(tag) =	ssettag $0x2  }
0xaf: {  	s0 =	rddreg [dreg:$0x0];
	s2 =	stileid.u32  }
0xb0: {  	s1 =	rddreg [dreg:$0x1];
	p0 =	sne.s32 s2, $0x0  }
0xb1: {  	s3 =	rddreg [dreg:$0x2];
	[bflag:$0x3] =	sbarrier.arrive $0xFFFF;
	s2 =	simm.s32 @!p0 $0x1C02  }
0xb2: {  	[timem:s3], [sflag:s2] =	dma.local @!p0 [hbm:s0], s1  }
0xb3: {  	s0 =	simm.s32 @!p0 $0x2  }
0xb4: {  	_ =	swait.ge @!p0 [sflag:s0], s1  }
0xb5: {  	s1 =	ssub.s32 @!p0 $0x0, s1;
	[sflag:s0] =	ssyncset.done @!p0 $0x0  }
0xb6: {  	[sflag:s0] =	ssyncadd.s32 @!p0 s1  }
0xb7: {  	[bflag:$0x3] =	sbarrier.arrive $0xFFFF  }
0xb8: {  	_ =	shalt  }

</sc_bundles>
